<compile_context>
chip_gen: v7x
topology: tpu7x:2x2x1
jax: 0.10.2.dev20260603
libtpu: 0.0.44.dev20260713+nightly
codegen_flags: <defaults>
</compile_context>

<pallas_src>
import functools
import jax
import jax.numpy as jnp
from jax import lax
from jax.experimental import pallas as pl
from jax.experimental.pallas import tpu as pltpu

T = 2048
D = 2048
H = 16
KV = 8
HD = 128
E = 16
TOPK = 2
I = 2816
EPS = 1e-06
QKVD = (H + 2 * KV) * HD

B = 384
NB_MAX = -(-(T * TOPK) // B) + E - 1
NPAD = NB_MAX * B
TI = 256
NI = I // TI


def _rms(x, w):
    var = jnp.mean(x * x, axis=-1, keepdims=True)
    return x * jax.lax.rsqrt(var + EPS) * w


def _attention_router(hidden_states, w_input_ln, w_pre_moe_ln, w_qkv, w_o,
                      w_router):
    h = _rms(hidden_states, w_input_ln)
    qkv = h @ w_qkv.T
    q = qkv[:, : H * HD].reshape(T, H, HD)
    k = qkv[:, H * HD : H * HD + KV * HD].reshape(T, KV, HD)
    v = qkv[:, H * HD + KV * HD :].reshape(T, KV, HD)
    rep = H // KV
    k = jnp.repeat(k, rep, axis=1)
    v = jnp.repeat(v, rep, axis=1)
    scores = jnp.einsum('qhd,khd->hqk', q, k) * (HD ** -0.5)
    mask = jnp.tril(jnp.ones((T, T), dtype=bool))
    scores = jnp.where(mask[None, :, :], scores, jnp.finfo(scores.dtype).min)
    p = jax.nn.softmax(scores, axis=-1)
    attn = jnp.einsum('hqk,khd->qhd', p, v).reshape(T, H * HD)
    attn_out = attn @ w_o.T
    residual = hidden_states + attn_out
    hn = _rms(residual, w_pre_moe_ln)
    logits = hn @ w_router.T
    rprobs = jax.nn.softmax(logits, axis=-1)
    topv, topi = jax.lax.top_k(rprobs, TOPK)
    return residual, hn, topi, topv


def _moe_body(be_ref, nb_ref, x_ref, wg_ref, wu_ref, w2_ref, ws_ref, y_ref):
    nb = pl.program_id(0)
    it = pl.program_id(1)
    active = nb < nb_ref[0]

    @pl.when(active)
    def _():
        x = x_ref[...].astype(jnp.bfloat16)
        g = jax.lax.dot_general(x, wg_ref[0].astype(jnp.bfloat16),
                                (((1,), (1,)), ((), ())),
                                preferred_element_type=jnp.float32)
        u = jax.lax.dot_general(x, wu_ref[0].astype(jnp.bfloat16),
                                (((1,), (1,)), ((), ())),
                                preferred_element_type=jnp.float32)
        act = (g * jax.nn.sigmoid(g)) * u
        contrib = jax.lax.dot_general(act.astype(jnp.bfloat16),
                                      w2_ref[0].astype(jnp.bfloat16),
                                      (((1,), (1,)), ((), ())),
                                      preferred_element_type=jnp.float32)

        @pl.when(it == 0)
        def _():
            y_ref[...] = contrib

        @pl.when(it > 0)
        def _():
            y_ref[...] += contrib

        @pl.when(it == NI - 1)
        def _():
            y_ref[...] = y_ref[...] * ws_ref[0, 0][:, None]


def _moe_call(x_sorted, w_sorted3, block_expert, nb_total, ws, w2s):
    grid_spec = pltpu.PrefetchScalarGridSpec(
        num_scalar_prefetch=2,
        grid=(NB_MAX, NI),
        in_specs=[
            pl.BlockSpec((B, D), lambda nb, it, be, nbt: (nb, 0)),
            pl.BlockSpec((1, TI, D), lambda nb, it, be, nbt: (be[nb], it, 0)),
            pl.BlockSpec((1, TI, D), lambda nb, it, be, nbt: (be[nb], NI + it, 0)),
            pl.BlockSpec((1, D, TI), lambda nb, it, be, nbt: (be[nb], 0, it)),
            pl.BlockSpec((1, 1, B), lambda nb, it, be, nbt: (nb, 0, 0)),
        ],
        out_specs=pl.BlockSpec((B, D), lambda nb, it, be, nbt: (nb, 0)),
    )
    return pl.pallas_call(
        _moe_body,
        grid_spec=grid_spec,
        out_shape=jax.ShapeDtypeStruct((NPAD, D), jnp.float32),
        compiler_params=pltpu.CompilerParams(
            dimension_semantics=("arbitrary", "arbitrary")),
    )(block_expert, nb_total, x_sorted, ws, ws, w2s, w_sorted3)


def _route_metadata(ti1, ti2, tv1, tv2):
    flat_e = jnp.stack([ti1, ti2], axis=1).reshape(-1)
    flat_w = jnp.stack([tv1, tv2], axis=1).reshape(-1)
    oh = (flat_e[:, None] == jnp.arange(E)[None, :]).astype(jnp.int32)
    counts = jnp.sum(oh, axis=0)
    nblocks = (counts + B - 1) // B
    padded = nblocks * B
    gstart = jnp.concatenate([jnp.zeros((1,), jnp.int32),
                              jnp.cumsum(padded)[:-1].astype(jnp.int32)])
    nb_total = jnp.sum(nblocks).astype(jnp.int32)
    bstart = jnp.concatenate([jnp.zeros((1,), jnp.int32),
                              jnp.cumsum(nblocks)[:-1].astype(jnp.int32)])
    nbids = jnp.arange(NB_MAX, dtype=jnp.int32)
    be = jnp.sum((nbids[:, None] >= bstart[None, :]).astype(jnp.int32),
                 axis=1) - 1
    be = jnp.where(nbids < nb_total, be, be[jnp.maximum(nb_total - 1, 0)])
    rank = jnp.cumsum(oh, axis=0) - oh
    rank_flat = jnp.take_along_axis(rank, flat_e[:, None], axis=1)[:, 0]
    pos_flat = gstart[flat_e] + rank_flat
    tok_sorted = jnp.zeros((NPAD,), jnp.int32).at[pos_flat].set(
        jnp.arange(2 * T, dtype=jnp.int32) // 2)
    w_sorted = jnp.zeros((NPAD,), jnp.float32).at[pos_flat].set(flat_w)
    return tok_sorted, w_sorted, be.astype(jnp.int32), \
        nb_total.reshape(1), pos_flat.reshape(T, 2)


def kernel(positions, hidden_states, w_input_ln, w_pre_moe_ln, w_qkv, w_o,
           w_router, ws, w2s):
    res, hn, topi, topv = _attention_router(hidden_states, w_input_ln,
                                            w_pre_moe_ln, w_qkv, w_o,
                                            w_router)
    tok_sorted, w_sorted, be, nb_total, pos = _route_metadata(
        topi[:, 0], topi[:, 1], topv[:, 0], topv[:, 1])
    x_sorted = hn[tok_sorted]
    w_sorted3 = w_sorted.reshape(NB_MAX, 1, B)
    y = _moe_call(x_sorted, w_sorted3, be, nb_total, ws, w2s)
    out = y[pos[:, 0]] + y[pos[:, 1]]
    return (out, res)

# --- scband reference (transcript-rebuilt; emitter-appended) ---
"""Pipeline reference for scband-jamba-attention-decoder-layer-67242007986399 (READ-ONLY COPY).

The authoritative reference and input builder live on the scoring server;
editing this copy changes nothing except your own understanding.
"""

import jax, jax.numpy as jnp
import numpy as np

T = 2048
D = 2048
H = 16
KV = 8
HD = 128
E = 16
TOPK = 2
I = 2816
EPS = 1e-06


def _rmsnorm(x, w):
    var = jnp.mean(x * x, axis=-1, keepdims=True)
    return x * jax.lax.rsqrt(var + EPS) * w


def setup_inputs(seed: int = 0) -> dict:
    key = jax.random.key(seed)
    ks = jax.random.split(key, 8)
    return {
        "positions": jnp.arange(T, dtype=jnp.int32),
        "hidden_states": jax.random.normal(ks[0], (T, D), dtype=jnp.float32),
        "w_input_ln": jnp.ones((D,), dtype=jnp.float32),
        "w_pre_moe_ln": jnp.ones((D,), dtype=jnp.float32),
        "w_qkv": jax.random.normal(ks[1], ((H + 2 * KV) * HD, D), dtype=jnp.float32) * 0.02,
        "w_o": jax.random.normal(ks[2], (D, H * HD), dtype=jnp.float32) * 0.02,
        "w_router": jax.random.normal(ks[3], (E, D), dtype=jnp.float32) * 0.02,
        "ws": jax.random.normal(ks[4], (E, 2 * I, D), dtype=jnp.float32) * 0.02,
        "w2s": jax.random.normal(ks[5], (E, D, I), dtype=jnp.float32) * 0.02,
    }


def reference(positions, hidden_states, w_input_ln, w_pre_moe_ln, w_qkv, w_o, w_router, ws, w2s):
    # residual is None path: residual = hidden_states; h = input_layernorm(hidden_states)
    residual = hidden_states
    h = _rmsnorm(hidden_states, w_input_ln)
    # self attention (positions unused: no rotary applied in the shown module code)
    qkv = h @ w_qkv.T
    q = qkv[:, : H * HD].reshape(T, H, HD)
    k = qkv[:, H * HD : H * HD + KV * HD].reshape(T, KV, HD)
    v = qkv[:, H * HD + KV * HD :].reshape(T, KV, HD)
    rep = H // KV
    k = jnp.repeat(k, rep, axis=1)
    v = jnp.repeat(v, rep, axis=1)
    scores = jnp.einsum('qhd,khd->hqk', q, k) * (HD ** -0.5)
    mask = jnp.tril(jnp.ones((T, T), dtype=bool))
    scores = jnp.where(mask[None, :, :], scores, jnp.finfo(scores.dtype).min)
    p = jax.nn.softmax(scores, axis=-1)
    attn = jnp.einsum('hqk,khd->qhd', p, v).reshape(T, H * HD)
    attn_out = attn @ w_o.T
    # pre_moe_layernorm fused residual add (vLLM RMSNorm(x, residual) semantics)
    residual = residual + attn_out
    h = _rmsnorm(residual, w_pre_moe_ln)
    # JambaMoE: router -> softmax -> top_k (renormalize=False) -> expert SwiGLU MLPs
    logits = h @ w_router.T
    rprobs = jax.nn.softmax(logits, axis=-1)
    topv, topi = jax.lax.top_k(rprobs, TOPK)
    combine = jnp.sum(jax.nn.one_hot(topi, E, dtype=h.dtype) * topv[..., None], axis=1)
    out = jnp.zeros_like(h)
    for e in range(E):
        gu = h @ ws[e].T
        g = gu[:, :I]
        u = gu[:, I:]
        act = jax.nn.silu(g) * u
        out = out + combine[:, e:e + 1] * (act @ w2s[e].T)
    return (out, residual)

if __name__ == "__main__":
    import jax
    _d = setup_inputs()
    print(jax.jit(kernel)(*tuple(_d.values())))

</pallas_src>

<mosaic_0001>
module attributes {stable_mosaic.version = 14 : i64} {
  func.func @_moe_body(%arg0: i32, %arg1: i32, %arg2: memref<26xi32, #tpu.memory_space<smem>>, %arg3: memref<1xi32, #tpu.memory_space<smem>>, %arg4: memref<384x2048xf32, #tpu.memory_space<vmem>>, %arg5: memref<1x256x2048xf32, #tpu.memory_space<vmem>>, %arg6: memref<1x256x2048xf32, #tpu.memory_space<vmem>>, %arg7: memref<1x2048x256xf32, #tpu.memory_space<vmem>>, %arg8: memref<1x1x384xf32, #tpu.memory_space<vmem>>, %arg9: memref<384x2048xf32, #tpu.memory_space<vmem>>) attributes {dimension_semantics = [#tpu.dimension_semantics<arbitrary>, #tpu.dimension_semantics<arbitrary>], iteration_bounds = array<i64: 26, 11>, scalar_prefetch = 2 : i64, scratch_operands = 0 : i64, tpu.core_type = #tpu.core_type<tc>, window_params = [{transform_indices = @transform_0, window_bounds = array<i64: 384, 2048>}, {transform_indices = @transform_1, window_bounds = array<i64: 1, 256, 2048>}, {transform_indices = @transform_2, window_bounds = array<i64: 1, 256, 2048>}, {transform_indices = @transform_3, window_bounds = array<i64: 1, 2048, 256>}, {transform_indices = @transform_4, window_bounds = array<i64: 1, 1, 384>}, {transform_indices = @transform_5, window_bounds = array<i64: 384, 2048>}]} {
    %get3A = arith.constant 0 : index
    %get3A_0 = memref.load %arg3[%get3A] : memref<1xi32, #tpu.memory_space<smem>>
    %lt3A = arith.cmpi slt, %arg0, %get3A_0 : i32
    %convert_element_type3A = arith.extui %lt3A : i1 to i32
    %cond3A = arith.constant 0 : i32
    %cond3A_1 = arith.cmpi ne, %convert_element_type3A, %cond3A : i32
    scf.if %cond3A_1 {
      %get3A_2 = arith.constant 0 : index
      %get3A_3 = arith.constant 0 : index
      %get3A_4 = vector.load %arg4[%get3A_2, %get3A_3] : memref<384x2048xf32, #tpu.memory_space<vmem>>, vector<384x2048xf32>
      %convert_element_type3A_5 = arith.truncf %get3A_4 : vector<384x2048xf32> to vector<384x2048xbf16>
      %get3A_6 = arith.constant 0 : index
      %get3A_7 = arith.constant 0 : index
      %get3A_8 = arith.constant 0 : index
      %get3A_9 = vector.load %arg5[%get3A_6, %get3A_7, %get3A_8] : memref<1x256x2048xf32, #tpu.memory_space<vmem>>, vector<1x256x2048xf32>
      %get3A_10 = vector.shape_cast %get3A_9 : vector<1x256x2048xf32> to vector<256x2048xf32>
      %convert_element_type3A_11 = arith.truncf %get3A_10 : vector<256x2048xf32> to vector<256x2048xbf16>
      %dot_general3A = arith.constant dense<0.000000e+00> : vector<384x256xf32>
      %dot_general3A_12 = tpu.matmul %convert_element_type3A_5, %convert_element_type3A_11, %dot_general3A {dimension_numbers = #tpu.dot_dimension_numbers<[1], [1], [0], [0], [0, 0, 1, 0], [], []>, transpose_lhs_hint = false} : vector<384x2048xbf16>, vector<256x2048xbf16>, vector<384x256xf32> -> vector<384x256xf32>
      %get3A_13 = arith.constant 0 : index
      %get3A_14 = arith.constant 0 : index
      %get3A_15 = arith.constant 0 : index
      %get3A_16 = vector.load %arg6[%get3A_13, %get3A_14, %get3A_15] : memref<1x256x2048xf32, #tpu.memory_space<vmem>>, vector<1x256x2048xf32>
      %get3A_17 = vector.shape_cast %get3A_16 : vector<1x256x2048xf32> to vector<256x2048xf32>
      %convert_element_type3A_18 = arith.truncf %get3A_17 : vector<256x2048xf32> to vector<256x2048xbf16>
      %dot_general3A_19 = arith.constant dense<0.000000e+00> : vector<384x256xf32>
      %dot_general3A_20 = tpu.matmul %convert_element_type3A_5, %convert_element_type3A_18, %dot_general3A_19 {dimension_numbers = #tpu.dot_dimension_numbers<[1], [1], [0], [0], [0, 0, 1, 0], [], []>, transpose_lhs_hint = false} : vector<384x2048xbf16>, vector<256x2048xbf16>, vector<384x256xf32> -> vector<384x256xf32>
      %logistic3A = arith.negf %dot_general3A_12 : vector<384x256xf32>
      %logistic3A_21 = math.exp %logistic3A : vector<384x256xf32>
      %logistic3A_22 = arith.constant 1.000000e+00 : f32
      %logistic3A_23 = vector.broadcast %logistic3A_22 : f32 to vector<384x256xf32>
      %logistic3A_24 = arith.addf %logistic3A_23, %logistic3A_21 : vector<384x256xf32>
      %logistic3A_25 = arith.divf %logistic3A_23, %logistic3A_24 : vector<384x256xf32>
      %mul3A = arith.mulf %dot_general3A_12, %logistic3A_25 : vector<384x256xf32>
      %mul3A_26 = arith.mulf %mul3A, %dot_general3A_20 : vector<384x256xf32>
      %convert_element_type3A_27 = arith.truncf %mul3A_26 : vector<384x256xf32> to vector<384x256xbf16>
      %get3A_28 = arith.constant 0 : index
      %get3A_29 = arith.constant 0 : index
      %get3A_30 = arith.constant 0 : index
      %get3A_31 = vector.load %arg7[%get3A_28, %get3A_29, %get3A_30] : memref<1x2048x256xf32, #tpu.memory_space<vmem>>, vector<1x2048x256xf32>
      %get3A_32 = vector.shape_cast %get3A_31 : vector<1x2048x256xf32> to vector<2048x256xf32>
      %convert_element_type3A_33 = arith.truncf %get3A_32 : vector<2048x256xf32> to vector<2048x256xbf16>
      %dot_general3A_34 = arith.constant dense<0.000000e+00> : vector<384x2048xf32>
      %dot_general3A_35 = tpu.matmul %convert_element_type3A_27, %convert_element_type3A_33, %dot_general3A_34 {dimension_numbers = #tpu.dot_dimension_numbers<[1], [1], [0], [0], [0, 0, 1, 0], [], []>, transpose_lhs_hint = false} : vector<384x256xbf16>, vector<2048x256xbf16>, vector<384x2048xf32> -> vector<384x2048xf32>
      %eq3A = arith.constant 0 : i32
      %eq3A_36 = arith.cmpi eq, %arg1, %eq3A : i32
      %convert_element_type3A_37 = arith.extui %eq3A_36 : i1 to i32
      %cond3A_38 = arith.constant 0 : i32
      %cond3A_39 = arith.cmpi ne, %convert_element_type3A_37, %cond3A_38 : i32
      scf.if %cond3A_39 {
        %swap3A = arith.constant 0 : index
        %swap3A_49 = arith.constant 0 : index
        %swap3A_50 = vector.load %arg9[%swap3A, %swap3A_49] : memref<384x2048xf32, #tpu.memory_space<vmem>>, vector<384x2048xf32>
        tpu.vector_store %arg9[%swap3A, %swap3A_49], %dot_general3A_35 {strides = array<i32>} : memref<384x2048xf32, #tpu.memory_space<vmem>>, vector<384x2048xf32>,
      } else {
      }
      %gt3A = arith.constant 0 : i32
      %gt3A_40 = arith.cmpi sgt, %arg1, %gt3A : i32
      %convert_element_type3A_41 = arith.extui %gt3A_40 : i1 to i32
      %cond3A_42 = arith.constant 0 : i32
      %cond3A_43 = arith.cmpi ne, %convert_element_type3A_41, %cond3A_42 : i32
      scf.if %cond3A_43 {
        %get3A_49 = arith.constant 0 : index
        %get3A_50 = arith.constant 0 : index
        %get3A_51 = vector.load %arg9[%get3A_49, %get3A_50] : memref<384x2048xf32, #tpu.memory_space<vmem>>, vector<384x2048xf32>
        %add3A = arith.addf %get3A_51, %dot_general3A_35 : vector<384x2048xf32>
        %swap3A = arith.constant 0 : index
        %swap3A_52 = arith.constant 0 : index
        %swap3A_53 = vector.load %arg9[%swap3A, %swap3A_52] : memref<384x2048xf32, #tpu.memory_space<vmem>>, vector<384x2048xf32>
        tpu.vector_store %arg9[%swap3A, %swap3A_52], %add3A {strides = array<i32>} : memref<384x2048xf32, #tpu.memory_space<vmem>>, vector<384x2048xf32>,
      } else {
      }
      %eq3A_44 = arith.constant 10 : i32
      %eq3A_45 = arith.cmpi eq, %arg1, %eq3A_44 : i32
      %convert_element_type3A_46 = arith.extui %eq3A_45 : i1 to i32
      %cond3A_47 = arith.constant 0 : i32
      %cond3A_48 = arith.cmpi ne, %convert_element_type3A_46, %cond3A_47 : i32
      scf.if %cond3A_48 {
        %get3A_49 = arith.constant 0 : index
        %get3A_50 = arith.constant 0 : index
        %get3A_51 = vector.load %arg9[%get3A_49, %get3A_50] : memref<384x2048xf32, #tpu.memory_space<vmem>>, vector<384x2048xf32>
        %get3A_52 = arith.constant 0 : index
        %get3A_53 = arith.constant 0 : index
        %get3A_54 = arith.constant 0 : index
        %get3A_55 = vector.load %arg8[%get3A_52, %get3A_53, %get3A_54] : memref<1x1x384xf32, #tpu.memory_space<vmem>>, vector<1x1x384xf32>
        %get3A_56 = vector.shape_cast %get3A_55 : vector<1x1x384xf32> to vector<384xf32>
        %broadcast_in_dim3A = vector.shape_cast %get3A_56 : vector<384xf32> to vector<384x1xf32>
        %mul3A_57 = vector.broadcast %broadcast_in_dim3A : vector<384x1xf32> to vector<384x2048xf32>
        %mul3A_58 = arith.mulf %get3A_51, %mul3A_57 : vector<384x2048xf32>
        %swap3A = arith.constant 0 : index
        %swap3A_59 = arith.constant 0 : index
        %swap3A_60 = vector.load %arg9[%swap3A, %swap3A_59] : memref<384x2048xf32, #tpu.memory_space<vmem>>, vector<384x2048xf32>
        tpu.vector_store %arg9[%swap3A, %swap3A_59], %mul3A_58 {strides = array<i32>} : memref<384x2048xf32, #tpu.memory_space<vmem>>, vector<384x2048xf32>,
      } else {
      }
    } else {
    }
    return
  }
  func.func @transform_0(%arg0: i32, %arg1: i32, %arg2: memref<26xi32, #tpu.memory_space<smem>>, %arg3: memref<1xi32, #tpu.memory_space<smem>>) -> (i32, i32) {
    %c0_i32 = arith.constant 0 : i32
    %c0_i32_0 = arith.constant 0 : i32
    return %arg0, %c0_i32 : i32, i32
  }
  func.func @transform_1(%arg0: i32, %arg1: i32, %arg2: memref<26xi32, #tpu.memory_space<smem>>, %arg3: memref<1xi32, #tpu.memory_space<smem>>) -> (i32, i32, i32) {
    %get3A = arith.index_cast %arg0 : i32 to index
    %get3A_0 = memref.load %arg2[%get3A] : memref<26xi32, #tpu.memory_space<smem>>
    %c0_i32 = arith.constant 0 : i32
    %c0_i32_1 = arith.constant 0 : i32
    return %get3A_0, %arg1, %c0_i32 : i32, i32, i32
  }
  func.func @transform_2(%arg0: i32, %arg1: i32, %arg2: memref<26xi32, #tpu.memory_space<smem>>, %arg3: memref<1xi32, #tpu.memory_space<smem>>) -> (i32, i32, i32) {
    %get3A = arith.index_cast %arg0 : i32 to index
    %get3A_0 = memref.load %arg2[%get3A] : memref<26xi32, #tpu.memory_space<smem>>
    %add3A = arith.constant 11 : i32
    %add3A_1 = arith.addi %add3A, %arg1 : i32
    %c0_i32 = arith.constant 0 : i32
    %c0_i32_2 = arith.constant 0 : i32
    return %get3A_0, %add3A_1, %c0_i32 : i32, i32, i32
  }
  func.func @transform_3(%arg0: i32, %arg1: i32, %arg2: memref<26xi32, #tpu.memory_space<smem>>, %arg3: memref<1xi32, #tpu.memory_space<smem>>) -> (i32, i32, i32) {
    %get3A = arith.index_cast %arg0 : i32 to index
    %get3A_0 = memref.load %arg2[%get3A] : memref<26xi32, #tpu.memory_space<smem>>
    %c0_i32 = arith.constant 0 : i32
    %c0_i32_1 = arith.constant 0 : i32
    return %get3A_0, %c0_i32, %arg1 : i32, i32, i32
  }
  func.func @transform_4(%arg0: i32, %arg1: i32, %arg2: memref<26xi32, #tpu.memory_space<smem>>, %arg3: memref<1xi32, #tpu.memory_space<smem>>) -> (i32, i32, i32) {
    %c0_i32 = arith.constant 0 : i32
    %c0_i32_0 = arith.constant 0 : i32
    %c0_i32_1 = arith.constant 0 : i32
    return %arg0, %c0_i32, %c0_i32_0 : i32, i32, i32
  }
  func.func @transform_5(%arg0: i32, %arg1: i32, %arg2: memref<26xi32, #tpu.memory_space<smem>>, %arg3: memref<1xi32, #tpu.memory_space<smem>>) -> (i32, i32) {
    %c0_i32 = arith.constant 0 : i32
    %c0_i32_0 = arith.constant 0 : i32
    return %arg0, %c0_i32 : i32, i32
  }
}

</mosaic_0001>

<sc_bundles>
// kernel: gather_offload_async_start.1
scs
__scs_entry_jumppad:
0x0: {  	(pc) =	sbr.rel $0x88, $3  }
0x1: {  	(tag) =	ssettag $0x0;
	lr =	simm.s32 $0x1  }
0x2: {  	[smem:$0x3F99] =	sst lr;
	_ =	strace $0xD0000000  }
0x3: {  	_ = 	snop  }
0x4: {  	_ = 	snop  }
0x5: {  	_ = 	snop  }
0x6: {  	_ = 	snop  }
0x7: {  	_ = 	snop  }
__scs_overlays_trampoline_lowered:
0x8: {  	[smem:$0x3FA8] =	sst s0  }
0x9: {  	[smem:$0x3FA9] =	sst s1  }
0xa: {  	[smem:$0x3FAA] =	sst s2  }
0xb: {  	[smem:$0x3FAB] =	sst s3  }
0xc: {  	[smem:$0x3FAC] =	sst s4  }
0xd: {  	[smem:$0x3FAD] =	sst s5  }
0xe: {  	[smem:$0x3FAE] =	sst s6  }
0xf: {  	[smem:$0x3FAF] =	sst s7  }
0x10: {  	[smem:$0x3FB0] =	sst s8  }
0x11: {  	[smem:$0x3FB1] =	sst s9;
	s0 =	simm.s32 @!p0 $0x0  }
0x12: {  	s1 =	sld [smem:$0x3F97];
	s0 =	simm.s32 @p0 $0x1  }
0x13: {  	[smem:$0x3FB2] =	sst s0;
	s0 =	simm.s32 @!p1 $0x0  }
0x14: {  	s2 =	sld [smem:$0x3F96];
	s0 =	simm.s32 @p1 $0x1  }
0x15: {  	[smem:$0x3FB3] =	sst s0;
	s0 =	simm.s32 @!p2 $0x0  }
0x16: {  	s3 =	sld [smem:$0x3FDB];
	s0 =	simm.s32 @p2 $0x1  }
0x17: {  	s4 =	simm.s32 $0x1BF5;
	[smem:$0x3FB5] =	sst s0  }
0x18: {  	s0 =	sld [smem:$0x3F98];
	_ =	swait.ge [sflag:s4], $0x0  }
0x19: {  	s7 =	sld [smem:$0x3F99]  }
0x1a: {  	s8 =	sadd.s32 $0xFFFFE003, lr  }
0x1b: {  	s9 =	sadd.s32 $0xFFFFFEF7, lr;
	s5 =	simm.s32 $0xFFFFFFFF;
	p2 =	slt.u32 s8, $0xFFFFF086  }
0x1c: {  	p1 =	slt.u32 s9, $0xF7A;
	s5 =	simm.s32 @!p2 $0x0  }
0x1d: {  	s5 =	simm.s32 @p1 $0x1;
	p0 =	seq.s32 s7, s2  }
0x1e: {  	s7 =	smul.u32 @!p0 $0xF7A, s2;
	p2 =	seq.s32 @!p0 s5, $0x0  }
0x1f: {  	s9 =	smul.u32 $0xF7A, s1;
	s8 =	simm.s32 @!p0 $0x1BF5;
	p2 =	por !p2, p0  }
0x20: {  	[sflag:s8] =	ssyncset.s32 @!p0 $0xFFFFF086;
	s6 =	sadd.s32 @!p0 s3, s7;
	s7 =	simm.s32 @!p0 $0x108  }
0x21: {  	s3 =	sadd.s32 s3, s9;
	s6 =	sadd.s32 @!p0 $0x88, s6;
	s7 =	simm.s32 @p2 $0x1082  }
0x22: {  	[simem:s7], [sflag:s8] =	dma.local @!p0 [hbm:s6], $0xF7A  }
0x23: {  	s9 =	sor.u32 $0xD0000000, s2;
	s6 =	simm.s32 $0x108;
	_ =	swait.ge @!p0 [sflag:s8], $0x0  }
0x24: {  	s3 =	sadd.s32 $0x88, s3;
	s6 =	simm.s32 @!p1 $0x1082;
	[sflag:s4] =	ssyncset.s32 $0xFFFFF086  }
0x25: {  	[simem:s6], [sflag:s4] =	dma.local [hbm:s3], $0xF7A  }
0x26: {  	[smem:$0x3F99] =	sst s1;
	(tag) =	ssettag s2;
	_ =	strace s9  }
0x27: {  	s1 =	sld [smem:$0x3FA9]  }
0x28: {  	s2 =	sld [smem:$0x3FAA]  }
0x29: {  	s4 =	sld [smem:$0x3FAC]  }
0x2a: {  	p0 =	seq.s32 s5, $0x0;
	s5 =	sld [smem:$0x3FAD]  }
0x2b: {  	s6 =	sld [smem:$0x3FAE]  }
0x2c: {  	s7 =	sld [smem:$0x3FAF]  }
0x2d: {  	s3 =	simm.s32 $0x108;
	s8 =	sld [smem:$0x3FB0]  }
0x2e: {  	s3 =	simm.s32 @!p0 $0x1082;
	s9 =	sld [smem:$0x3FB1]  }
0x2f: {  	lr =	sadd.s32 s0, s3;
	s0 =	sld [smem:$0x3FA8]  }
0x30: {  	s3 =	sld [smem:$0x3FAB]  }
0x31: {  	[smem:$0x3FB4] =	sst s10  }
0x32: {  	s10 =	sld [smem:$0x3FB2];
	_ =	sdelay $0x3  }
0x33: {  	p0 =	seq.s32 s10, $0x1;
	s10 =	sld [smem:$0x3FB4];
	_ =	sdelay $0x3  }
0x34: {  	[smem:$0x3FB4] =	sst s10  }
0x35: {  	s10 =	sld [smem:$0x3FB3];
	_ =	sdelay $0x3  }
0x36: {  	p1 =	seq.s32 s10, $0x1;
	s10 =	sld [smem:$0x3FB4];
	_ =	sdelay $0x3  }
0x37: {  	[smem:$0x3FB4] =	sst s10  }
0x38: {  	s10 =	sld [smem:$0x3FB5]  }
0x39: {  	_ = 	snop;
	(pc) =	sbr.ind lr, $3  }
0x3a: {  	_ = 	snop  }
0x3b: {  	_ = 	snop  }
0x3c: {  	p2 =	seq.s32 s10, $0x1;
	s10 =	sld [smem:$0x3FB4]  }
0x3d: {  	_ =	shalt  }
0x3e: {  	_ =	shalt  }
0x3f: {  	_ =	shalt  }
0x40: {  	_ =	shalt  }
0x41: {  	_ =	shalt  }
0x42: {  	_ =	shalt  }
0x43: {  	_ =	shalt  }
0x44: {  	_ =	shalt  }
0x45: {  	_ =	shalt  }
0x46: {  	_ =	shalt  }
0x47: {  	_ =	shalt  }
0x48: {  	_ =	shalt  }
0x49: {  	_ =	shalt  }
0x4a: {  	_ =	shalt  }
0x4b: {  	_ =	shalt  }
0x4c: {  	_ =	shalt  }
0x4d: {  	_ =	shalt  }
0x4e: {  	_ =	shalt  }
0x4f: {  	_ =	shalt  }
0x50: {  	_ =	shalt  }
0x51: {  	_ =	shalt  }
0x52: {  	_ =	shalt  }
0x53: {  	_ =	shalt  }
0x54: {  	_ =	shalt  }
0x55: {  	_ =	shalt  }
0x56: {  	_ =	shalt  }
0x57: {  	_ =	shalt  }
0x58: {  	_ =	shalt  }
0x59: {  	_ =	shalt  }
0x5a: {  	_ =	shalt  }
0x5b: {  	_ =	shalt  }
0x5c: {  	_ =	shalt  }
0x5d: {  	_ =	shalt  }
0x5e: {  	_ =	shalt  }
0x5f: {  	_ =	shalt  }
0x60: {  	_ =	shalt  }
0x61: {  	_ =	shalt  }
0x62: {  	_ =	shalt  }
0x63: {  	_ =	shalt  }
0x64: {  	_ =	shalt  }
0x65: {  	_ =	shalt  }
0x66: {  	_ =	shalt  }
0x67: {  	_ =	shalt  }
0x68: {  	_ =	shalt  }
0x69: {  	_ =	shalt  }
0x6a: {  	_ =	shalt  }
0x6b: {  	_ =	shalt  }
0x6c: {  	_ =	shalt  }
0x6d: {  	_ =	shalt  }
0x6e: {  	_ =	shalt  }
0x6f: {  	_ =	shalt  }
0x70: {  	_ =	shalt  }
0x71: {  	_ =	shalt  }
0x72: {  	_ =	shalt  }
0x73: {  	_ =	shalt  }
0x74: {  	_ =	shalt  }
0x75: {  	_ =	shalt  }
0x76: {  	_ =	shalt  }
0x77: {  	_ =	shalt  }
0x78: {  	_ =	shalt  }
0x79: {  	_ =	shalt  }
0x7a: {  	_ =	shalt  }
0x7b: {  	_ =	shalt  }
0x7c: {  	_ =	shalt  }
0x7d: {  	_ =	shalt  }
0x7e: {  	_ =	shalt  }
0x7f: {  	_ =	shalt  }
0x80: {  	_ =	shalt  }
0x81: {  	_ =	shalt  }
0x82: {  	_ =	shalt  }
0x83: {  	_ =	shalt  }
0x84: {  	_ =	shalt  }
0x85: {  	_ =	shalt  }
0x86: {  	_ =	shalt  }
0x87: {  	_ =	shalt  }
.Lfunc_end0:
.L_simem_size_0:
called_computation.1_lowered:
.L_overlay_start_0:
0x88: {  	s2 =	sld [smem:$0x3FD9]  }
0x89: {  	s3 =	sld [smem:$0x3FFE];
	_ =	sdelay $0x1  }
0x8a: {  	s1 =	srdreg.scid  }
0x8b: {  	s0 =	sand.u32 $0x1, s1  }
0x8c: {  	s16 =	sshll.u32 s0, $0xA;
	s2 =	sadd.s32 s3, s2  }
0x8d: {  	s2 =	sadd.s32 s2, s16  }
0x8e: {  	[smem:$0x3FC0] =	sst s2  }
0x8f: {  	_ = 	snop  }
0x90: {  	(tm) =	ssettm $0x1  }
0x91: {  	s17 =	sld [smem:$0x3FFB];
	_ =	sdelay $0x3  }
0x92: {  	_ =	strace s17  }
0x93: {  	s2 =	sld [smem:$0x3FFC];
	_ =	sdelay $0x3  }
0x94: {  	_ =	strace s2  }
0x95: {  	s2 =	sld [smem:$0x3FFD];
	_ =	sdelay $0x3  }
0x96: {  	_ =	strace s2  }
0x97: {  	_ =	strace $0x8FFFFFFF  }
0x98: {  	s18 =	sld [smem:$0x3FDB];
	_ =	sdelay $0x1  }
0x99: {  	s19 =	simm.s32 $_scs_section_size  }
0x9a: {  	s4 =	simm.s32 $_size__tile_overlayer_lowered;
	s5 =	simm.s32 $_tile_overlayer_lowered  }
0x9b: {  	s22 =	simm.s32 $0x1BFF;
	s21 =	sshll.u32 s5, $0x1;
	s2 =	sadd.s32 s19, s18  }
0x9c: {  	s6 =	simm.s32 $0x0;
	s20 =	sshll.u32 s4, $0x1;
	s4 =	sadd.s32 s21, s2  }
0x9d: {  	[timem:s6], [sflag:s22] =	dma.local [hbm:s4], s20  }
0x9e: {  	_ =	swait.ge [sflag:s22], s20  }
0x9f: {  	s3 =	ssub.s32 $0x0, s20;
	[sflag:s22] =	ssyncset.done $0x0  }
0xa0: {  	[sflag:s22] =	ssyncadd.s32 s3;
	_ =	sdelay $0x1  }
0xa1: {  	s23 =	simm.s32 $0x1B8B  }
0xa2: {  	_ =	swait.ge [sflag:s23], $0x1  }
0xa3: {  	[sflag:s23] =	ssyncset.done $0x0  }
0xa4: {  	s25 =	simm.s32 $0x1B8E;
	s24 =	sld [smem:$0x3FFE];
	[sflag:s23] =	ssyncadd.s32 $0xFFFFFFFF  }
0xa5: {  	s26 =	simm.s32 $execute0_lowered;
	[smem:$0x3FD2] =	sst s25  }
0xa6: {  	s4 =	sshll.u32 s26, $0x1;
	_ =	strace $0x80000049;
	[dreg:$0x1] =	wrdreg $0xFFFFFFFF  }
0xa7: {  	s28 =	simm.s32 $_size_execute0_lowered;
	s2 =	sadd.s32 s2, s4;
	[dreg:$0x0] =	wrdreg $0x0  }
0xa8: {  	s4 =	sshll.u32 s28, $0x1;
	[dreg:$0x2] =	wrdreg s2  }
0xa9: {  	[dreg:$0x3] =	wrdreg s4  }
0xaa: {  	[dreg:$0x4] =	wrdreg $0xC0  }
0xab: {  	_ =	task [dreg:s6], $0x5FFFF  }
0xac: {  	[dreg:$0x1] =	wrdreg $0xFFFFFFFF  }
0xad: {  	[dreg:$0x0] =	wrdreg $0x60  }
0xae: {  	[dreg:$0x2] =	wrdreg s24  }
0xaf: {  	[dreg:$0x3] =	wrdreg $0xA  }
0xb0: {  	_ =	task.clear_ibuf [dreg:s6], $0x4FFFF;
	_ =	strace $0x90000049  }
0xb1: {  	s29 =	simm.s32 $0xA;
	_ =	strace $0x8000004B  }
0xb2: {  	_ =	swait.ge [sflag:s29], $0x1  }
0xb3: {  	[sflag:s29] =	ssyncadd.s32 $0xFFFFFFFF  }
0xb4: {  	_ =	strace $0x9000004B  }
0xb5: {  	_ =	sfence  }
0xb6: {  	s30 =	sld [smem:$0x0];
	_ =	sdelay $0x2  }
0xb7: {  	s31 =	sshll.u32 s1, $0xD;
	s1 =	sshrl.u32 s1, $0x2  }
0xb8: {  	s3 =	sand.u32 $0x4000, s31;
	s1 =	sadd.s32 s1, s30  }
0xb9: {  	s0 =	sor.u32 s3, s0;
	s1 =	sshll.u32 s1, $0x11  }
0xba: {  	s0 =	sor.u32 s1, s0  }
0xbb: {  	s0 =	sadd.s32 $0x8F2B, s0  }
0xbc: {  	[sflag:s0] =	ssyncadd.remote.s32 $0x1  }
0xbd: {  	_ =	sfence.sel $0xFFFF  }
0xbe: {  	[dreg:$0x0] =	wrdreg $0xFFFFFFFF;
	(pc) =	sbr.abs _section_cstart, $3  }
0xbf: {  	[dreg:$0x1] =	wrdreg $0xFFFFFFFF  }
0xc0: {  	_ =	task.clear_ibuf [dreg:s6], $0x2FFFF;
	_ =	strace $0x9FFFFFFF  }
0xc1: {  	(tm) =	ssettm $0x7FFFFFFF  }
tec
execute0_lowered:
.L_overlay_start_1:
0x0: {  	(tag) =	ssettag $0x1  }
0x1: {  	s7 =	rddreg [dreg:$0x0]  }
0x2: {  	s0 =	rddreg [dreg:$0x1];
	_ =	strace $0x8000004A  }
0x3: {  	s1 =	srdreg.scid;
	s4 =	simm.s32 $0x1;
	s9 =	simm.s32 $0x3  }
0x4: {  	s11 =	simm.s32 $0x0;
	p0 =	por $0x0, $0x0;
	s5 =	sshll.u32 s1, $0x4  }
.Ltmp0:
0x5: {  	s1 =	stileid.u32;
	s5 =	sand.u32 $0x10, s5;
	(pc) =	sbr.rel .LBB2_1-.Ltmp0, $4  }
0x6: {  	s2 =	sadd.s32 $0x272800, s7;
	s3 =	sadd.s32 $0x200, s7;
	s6 =	sor.u32 s1, s5  }
0x7: {  	[sflag:s4] =	ssyncpa.u1 $0x0;
	s5 =	simm.s32 $0x2;
	s6 =	sshll.u32 s6, $0x6  }
0x8: {  	s7 =	sadd.s32 $0x400, s7;
	[sflag:s5] =	ssyncpa.u1 $0x0;
	s8 =	sadd.s32 $0x40, s6  }
0x9: {  	vm0 =	vmmov $0xff;
	vm1 =	vcmask $0x3F20;
	[sflag:s9] =	ssyncpa.u1 $0x0;
	s10 =	smov.u32 s6;
	s9 =	simm.s32 $0x0  }
.LBB2_5:
0xa: {  	p1 =	slt.u32 s9, $0x2;
	s11 =	sadd.s32 $0x10, s10  }
0xb: {  	s13 =	smov.u32 s6;
	s9 =	sadd.s32 $0x1, s9;
	p2 =	slt.s32 s11, s8  }
0xc: {  	s13 =	smov.u32 @p2 s11;
	p2 =	sne.s32 s9, $0x6  }
.Ltmp1:
0xd: {  	_ = 	snop;
	(pc) =	sbr.rel @!p2 .LBB2_6-.Ltmp1, $4  }
0xe: {  	s12 =	simm.s32 @!p1 $0x3  }
0xf: {  	_ =	swait.ge @!p1 [sflag:s12], $0x8000  }
0x10: {  	p0 =	por !p0, !p0;
	[sflag:s12] =	ssyncset.done @!p1 $0x0  }
0x11: {  	s11 =	smov.u32 s10;
	s10 =	smov.u32 s13;
	[sflag:s12] =	ssyncadd.s32 @!p1 $0xFFFF8000  }
.LBB2_1:
0x12: {  	p1 =	sgt.u32 s9, $0x3  }
0x13: {  	s12 =	sxor.u32 @!p1 $0xFFFFFFFF, s9  }
0x14: {  	s13 =	sshrl.u32 @!p1 s10, $0x3;
	s12 =	sshll.u32 @!p1 s12, $0x4  }
0x15: {  	s14 =	sand.u32 @!p1 $0x7, s10;
	s13 =	sadd.s32 @!p1 s3, s13;
	s12 =	sand.u32 @!p1 $0x10, s12  }
0x16: {  	[tilespmem:s12], [sflag:$0x2] =	stream.linear.gather @!p1 [hbm4b:s13+s14], $0x10, $0x38;
	[tilespmem:$0x10020] =	vst v63  }
0x17: {  	p1 =	seq.s32 s9, $0x0  }
0x18: {  	p2 =	seq.s32 @!p1 s9, $0x5  }
0x19: {  	p1 =	por p1, p2  }
.Ltmp2:
0x1a: {  	_ = 	snop;
	(pc) =	sbr.rel @p1 .LBB2_5-.Ltmp2, $1  }
0x1b: {  	_ =	sdelay $0x3  }
0x1c: {  	_ =	swait.ge [sflag:s5], $0x10  }
0x1d: {  	s12 =	sand.u32 $0x1, s9;
	[sflag:s5] =	ssyncset.done $0x0  }
0x1e: {  	s13 =	sshll.u32 s12, $0x4;
	[sflag:s5] =	ssyncadd.s32 $0xFFFFFFF0  }
0x1f: {  	v0 =	vld.msk [tilespmem:s13+$0x0 ss:$0x1], $0xffff;
	_ =	sdelay $0x4  }
0x20: {  	vm2 =	vgt.s32 v0, $0x0  }
0x21: {  	v0 =	vnsel vm2, $0x0, v0  }
0x22: {  	v0 =	vmin.u32 v0, $0x26FF  }
0x23: {  	v1 =	vshll.u32 v0, $0x8;
	v0 =	vshll.u32 v0, $0x4  }
0x24: {  	v1 =	vand.u32 $0x3FF800, v1;
	v0 =	vand.u32 $0x70, v0  }
0x25: {  	s13 =	simm.s32 $0x1;
	v0 =	vor.u32 v0, v1  }
0x26: {  	s13 =	simm.s32 @!p0 $0x0  }
0x27: {  	s13 =	sshll.u32 s13, $0xF  }
0x28: {  	s14 =	sor.u32 $0x20, s13  }
0x29: {  	s12 =	sshll.u32 s12, $0xF;
	s16 =	sadd.s32 $0x0, s14  }
0x2a: {  	[tilespmem:s16], [sflag:$0x1] =	stream.indirect_vreg.gather [hbm:s2], $0x80, v0, vm0, $0x38;
	[tilespmem:$0x10020] =	vst v63  }
0x2b: {  	s15 =	simm.s32 $0x1000;
	s13 =	sor.u32 $0x20, s12;
	v1 =	vadd.s32 $0x80, v0;
	s16 =	sadd.s32 $0x4000, s16  }
.LBB2_3:
0x2c: {  	[tilespmem:s16], [sflag:$0x1] =	stream.indirect_vreg.gather [hbm:s2], $0x80, v0, vm1, $0x38;
	[tilespmem:$0x10020] =	vst v63  }
0x2d: {  	v0 =	vmov v1;
	s16 =	smov.u32 s15;
	p1 =	sne.s32 s15, $0xF000  }
.Ltmp3:
0x2e: {  	s15 =	sadd.s32 $0x1000, s15;
	(pc) =	sbr.rel @p1 .LBB2_3-.Ltmp3, $4  }
0x2f: {  	s16 =	sshra.s32 s16, $0x2  }
0x30: {  	s16 =	sadd.s32 s16, s14  }
0x31: {  	[tilespmem:s16], [sflag:$0x1] =	stream.indirect_vreg.gather [hbm:s2], $0x80, v1, vm0, $0x38;
	[tilespmem:$0x10020] =	vst v63  }
0x32: {  	s16 =	sadd.s32 $0x4000, s16;
	v1 =	vadd.s32 $0x80, v1  }
0x33: {  	_ =	sdelay $0x3  }
0x34: {  	[tilespmem:s16], [sflag:$0x1] =	stream.indirect_vreg.gather [hbm:s2], $0x80, v0, vm1, $0x38;
	[tilespmem:$0x10020] =	vst v63  }
0x35: {  	s14 =	sshll.u32 s11, $0x4;
	s31 =	sshll.u32 s11, $0x8  }
0x36: {  	_ =	swait.ge [sflag:s4], $0x8000;
	s14 =	sand.u32 $0x70, s14;
	s11 =	sand.u32 $0xFFFFF800, s31  }
.Ltmp4:
0x37: {  	[sflag:s4] =	ssyncset.done $0x0;
	s14 =	sadd.s32 s7, s14;
	(pc) =	sbr.rel .LBB2_5-.Ltmp4, $4  }
0x38: {  	[sflag:s4] =	ssyncadd.s32 $0xFFFF8000;
	s11 =	sadd.s32 s11, s14  }
0x39: {  	[hbm:s11] =	stream.linear.scatter [tilespmem:s13], [sflag:$0x3], $0x4000, $0x38;
	[tilespmem:$0x10020] =	vst v63  }
0x3a: {  	s12 =	sadd.s32 $0x4020, s12;
	s11 =	sadd.s32 $0x800, s11  }
0x3b: {  	[hbm:s11] =	stream.linear.scatter [tilespmem:s12], [sflag:$0x3], $0x4000, $0x38;
	[tilespmem:$0x10020] =	vst v63  }
.LBB2_6:
0x3c: {  	_ =	sfence.sel $0x180000  }
0x3d: {  	s2 =	simm.s32 $0x2;
	[bflag:$0x0] =	sbarrier.arrive $0xFFFF  }
0x3e: {  	s30 =	simm.s32 $0x3;
	[sflag:s2] =	ssyncpa.u1 $0x1  }
0x3f: {  	s31 =	simm.s32 $0x1;
	[sflag:s30] =	ssyncpa.u1 $0x1  }
0x40: {  	[sflag:s31] =	ssyncpa.u1 $0x1  }
0x41: {  	p0 =	sne.s32 s1, $0x0;
	_ =	strace $0x9000004A  }
0x42: {  	s0 =	sadd.s32 @!p0 $0x100000, s0;
	[bflag:$0x2] =	sbarrier.arrive $0xFFFF  }
0x43: {  	[sflag:s0] =	ssyncadd.tile.s32 @!p0 $0x1;
	_ =	shalt  }
.Lfunc_end2:
_tile_overlayer_lowered:
.L_overlay_start_2:
0x44: {  	(tag) =	ssettag $0x2  }
0x45: {  	s0 =	rddreg [dreg:$0x0];
	s2 =	stileid.u32  }
0x46: {  	s1 =	rddreg [dreg:$0x1];
	p0 =	sne.s32 s2, $0x0  }
0x47: {  	s3 =	rddreg [dreg:$0x2];
	[bflag:$0x3] =	sbarrier.arrive $0xFFFF;
	s2 =	simm.s32 @!p0 $0x1C01  }
0x48: {  	[timem:s3], [sflag:s2] =	dma.local @!p0 [hbm:s0], s1  }
0x49: {  	s0 =	simm.s32 @!p0 $0x1  }
0x4a: {  	_ =	swait.ge @!p0 [sflag:s0], s1  }
0x4b: {  	s1 =	ssub.s32 @!p0 $0x0, s1;
	[sflag:s0] =	ssyncset.done @!p0 $0x0  }
0x4c: {  	[sflag:s0] =	ssyncadd.s32 @!p0 s1  }
0x4d: {  	[bflag:$0x3] =	sbarrier.arrive $0xFFFF  }
0x4e: {  	_ =	shalt  }

// kernel: gather_offload_async_start.2
scs
__scs_entry_jumppad:
0x0: {  	(pc) =	sbr.rel $0x88, $3  }
0x1: {  	(tag) =	ssettag $0x0;
	lr =	simm.s32 $0x1  }
0x2: {  	[smem:$0x3F99] =	sst lr;
	_ =	strace $0xD0000000  }
0x3: {  	_ = 	snop  }
0x4: {  	_ = 	snop  }
0x5: {  	_ = 	snop  }
0x6: {  	_ = 	snop  }
0x7: {  	_ = 	snop  }
__scs_overlays_trampoline_lowered:
0x8: {  	[smem:$0x3FA8] =	sst s0  }
0x9: {  	[smem:$0x3FA9] =	sst s1  }
0xa: {  	[smem:$0x3FAA] =	sst s2  }
0xb: {  	[smem:$0x3FAB] =	sst s3  }
0xc: {  	[smem:$0x3FAC] =	sst s4  }
0xd: {  	[smem:$0x3FAD] =	sst s5  }
0xe: {  	[smem:$0x3FAE] =	sst s6  }
0xf: {  	[smem:$0x3FAF] =	sst s7  }
0x10: {  	[smem:$0x3FB0] =	sst s8  }
0x11: {  	[smem:$0x3FB1] =	sst s9;
	s0 =	simm.s32 @!p0 $0x0  }
0x12: {  	s1 =	sld [smem:$0x3F97];
	s0 =	simm.s32 @p0 $0x1  }
0x13: {  	[smem:$0x3FB2] =	sst s0;
	s0 =	simm.s32 @!p1 $0x0  }
0x14: {  	s2 =	sld [smem:$0x3F96];
	s0 =	simm.s32 @p1 $0x1  }
0x15: {  	[smem:$0x3FB3] =	sst s0;
	s0 =	simm.s32 @!p2 $0x0  }
0x16: {  	s3 =	sld [smem:$0x3FDB];
	s0 =	simm.s32 @p2 $0x1  }
0x17: {  	s4 =	simm.s32 $0x1BF5;
	[smem:$0x3FB5] =	sst s0  }
0x18: {  	s0 =	sld [smem:$0x3F98];
	_ =	swait.ge [sflag:s4], $0x0  }
0x19: {  	s7 =	sld [smem:$0x3F99]  }
0x1a: {  	s8 =	sadd.s32 $0xFFFFE003, lr  }
0x1b: {  	s9 =	sadd.s32 $0xFFFFFEF7, lr;
	s5 =	simm.s32 $0xFFFFFFFF;
	p2 =	slt.u32 s8, $0xFFFFF086  }
0x1c: {  	p1 =	slt.u32 s9, $0xF7A;
	s5 =	simm.s32 @!p2 $0x0  }
0x1d: {  	s5 =	simm.s32 @p1 $0x1;
	p0 =	seq.s32 s7, s2  }
0x1e: {  	s7 =	smul.u32 @!p0 $0xF7A, s2;
	p2 =	seq.s32 @!p0 s5, $0x0  }
0x1f: {  	s9 =	smul.u32 $0xF7A, s1;
	s8 =	simm.s32 @!p0 $0x1BF5;
	p2 =	por !p2, p0  }
0x20: {  	[sflag:s8] =	ssyncset.s32 @!p0 $0xFFFFF086;
	s6 =	sadd.s32 @!p0 s3, s7;
	s7 =	simm.s32 @!p0 $0x108  }
0x21: {  	s3 =	sadd.s32 s3, s9;
	s6 =	sadd.s32 @!p0 $0x88, s6;
	s7 =	simm.s32 @p2 $0x1082  }
0x22: {  	[simem:s7], [sflag:s8] =	dma.local @!p0 [hbm:s6], $0xF7A  }
0x23: {  	s9 =	sor.u32 $0xD0000000, s2;
	s6 =	simm.s32 $0x108;
	_ =	swait.ge @!p0 [sflag:s8], $0x0  }
0x24: {  	s3 =	sadd.s32 $0x88, s3;
	s6 =	simm.s32 @!p1 $0x1082;
	[sflag:s4] =	ssyncset.s32 $0xFFFFF086  }
0x25: {  	[simem:s6], [sflag:s4] =	dma.local [hbm:s3], $0xF7A  }
0x26: {  	[smem:$0x3F99] =	sst s1;
	(tag) =	ssettag s2;
	_ =	strace s9  }
0x27: {  	s1 =	sld [smem:$0x3FA9]  }
0x28: {  	s2 =	sld [smem:$0x3FAA]  }
0x29: {  	s4 =	sld [smem:$0x3FAC]  }
0x2a: {  	p0 =	seq.s32 s5, $0x0;
	s5 =	sld [smem:$0x3FAD]  }
0x2b: {  	s6 =	sld [smem:$0x3FAE]  }
0x2c: {  	s7 =	sld [smem:$0x3FAF]  }
0x2d: {  	s3 =	simm.s32 $0x108;
	s8 =	sld [smem:$0x3FB0]  }
0x2e: {  	s3 =	simm.s32 @!p0 $0x1082;
	s9 =	sld [smem:$0x3FB1]  }
0x2f: {  	lr =	sadd.s32 s0, s3;
	s0 =	sld [smem:$0x3FA8]  }
0x30: {  	s3 =	sld [smem:$0x3FAB]  }
0x31: {  	[smem:$0x3FB4] =	sst s10  }
0x32: {  	s10 =	sld [smem:$0x3FB2];
	_ =	sdelay $0x3  }
0x33: {  	p0 =	seq.s32 s10, $0x1;
	s10 =	sld [smem:$0x3FB4];
	_ =	sdelay $0x3  }
0x34: {  	[smem:$0x3FB4] =	sst s10  }
0x35: {  	s10 =	sld [smem:$0x3FB3];
	_ =	sdelay $0x3  }
0x36: {  	p1 =	seq.s32 s10, $0x1;
	s10 =	sld [smem:$0x3FB4];
	_ =	sdelay $0x3  }
0x37: {  	[smem:$0x3FB4] =	sst s10  }
0x38: {  	s10 =	sld [smem:$0x3FB5]  }
0x39: {  	_ = 	snop;
	(pc) =	sbr.ind lr, $3  }
0x3a: {  	_ = 	snop  }
0x3b: {  	_ = 	snop  }
0x3c: {  	p2 =	seq.s32 s10, $0x1;
	s10 =	sld [smem:$0x3FB4]  }
0x3d: {  	_ =	shalt  }
0x3e: {  	_ =	shalt  }
0x3f: {  	_ =	shalt  }
0x40: {  	_ =	shalt  }
0x41: {  	_ =	shalt  }
0x42: {  	_ =	shalt  }
0x43: {  	_ =	shalt  }
0x44: {  	_ =	shalt  }
0x45: {  	_ =	shalt  }
0x46: {  	_ =	shalt  }
0x47: {  	_ =	shalt  }
0x48: {  	_ =	shalt  }
0x49: {  	_ =	shalt  }
0x4a: {  	_ =	shalt  }
0x4b: {  	_ =	shalt  }
0x4c: {  	_ =	shalt  }
0x4d: {  	_ =	shalt  }
0x4e: {  	_ =	shalt  }
0x4f: {  	_ =	shalt  }
0x50: {  	_ =	shalt  }
0x51: {  	_ =	shalt  }
0x52: {  	_ =	shalt  }
0x53: {  	_ =	shalt  }
0x54: {  	_ =	shalt  }
0x55: {  	_ =	shalt  }
0x56: {  	_ =	shalt  }
0x57: {  	_ =	shalt  }
0x58: {  	_ =	shalt  }
0x59: {  	_ =	shalt  }
0x5a: {  	_ =	shalt  }
0x5b: {  	_ =	shalt  }
0x5c: {  	_ =	shalt  }
0x5d: {  	_ =	shalt  }
0x5e: {  	_ =	shalt  }
0x5f: {  	_ =	shalt  }
0x60: {  	_ =	shalt  }
0x61: {  	_ =	shalt  }
0x62: {  	_ =	shalt  }
0x63: {  	_ =	shalt  }
0x64: {  	_ =	shalt  }
0x65: {  	_ =	shalt  }
0x66: {  	_ =	shalt  }
0x67: {  	_ =	shalt  }
0x68: {  	_ =	shalt  }
0x69: {  	_ =	shalt  }
0x6a: {  	_ =	shalt  }
0x6b: {  	_ =	shalt  }
0x6c: {  	_ =	shalt  }
0x6d: {  	_ =	shalt  }
0x6e: {  	_ =	shalt  }
0x6f: {  	_ =	shalt  }
0x70: {  	_ =	shalt  }
0x71: {  	_ =	shalt  }
0x72: {  	_ =	shalt  }
0x73: {  	_ =	shalt  }
0x74: {  	_ =	shalt  }
0x75: {  	_ =	shalt  }
0x76: {  	_ =	shalt  }
0x77: {  	_ =	shalt  }
0x78: {  	_ =	shalt  }
0x79: {  	_ =	shalt  }
0x7a: {  	_ =	shalt  }
0x7b: {  	_ =	shalt  }
0x7c: {  	_ =	shalt  }
0x7d: {  	_ =	shalt  }
0x7e: {  	_ =	shalt  }
0x7f: {  	_ =	shalt  }
0x80: {  	_ =	shalt  }
0x81: {  	_ =	shalt  }
0x82: {  	_ =	shalt  }
0x83: {  	_ =	shalt  }
0x84: {  	_ =	shalt  }
0x85: {  	_ =	shalt  }
0x86: {  	_ =	shalt  }
0x87: {  	_ =	shalt  }
.Lfunc_end0:
.L_simem_size_0:
called_computation.2_lowered:
.L_overlay_start_0:
0x88: {  	s2 =	sld [smem:$0x3FD9]  }
0x89: {  	s3 =	sld [smem:$0x3FFE];
	_ =	sdelay $0x1  }
0x8a: {  	s1 =	srdreg.scid  }
0x8b: {  	s0 =	sand.u32 $0x1, s1  }
0x8c: {  	s14 =	sshll.u32 s0, $0xA;
	s2 =	sadd.s32 s3, s2  }
0x8d: {  	s2 =	sadd.s32 s2, s14  }
0x8e: {  	[smem:$0x3FC0] =	sst s2  }
0x8f: {  	_ = 	snop  }
0x90: {  	s2 =	sld [smem:$0x3FD0];
	_ =	sdelay $0x2  }
0x91: {  	s15 =	simm.s32 $0xB;
	s4 =	simm.s32 $0x10  }
0x92: {  	[smem:s4], [sflag:s15] =	dma.local [hbm:s2], $0x1  }
0x93: {  	_ =	swait.eq [sflag:s15], $0x1  }
0x94: {  	[sflag:s15] =	ssyncset.done $0x0  }
0x95: {  	[sflag:s15] =	ssyncadd.s32 $0xFFFFFFFF  }
0x96: {  	s16 =	sld [smem:$0x11];
	(tm) =	ssettm $0x1  }
0x97: {  	s17 =	sld [smem:$0x3FFB];
	_ =	sdelay $0x3  }
0x98: {  	_ =	strace s17  }
0x99: {  	s3 =	sld [smem:$0x3FFC];
	_ =	sdelay $0x3  }
0x9a: {  	_ =	strace s3  }
0x9b: {  	s3 =	sld [smem:$0x3FFD];
	_ =	sdelay $0x3  }
0x9c: {  	_ =	strace s3  }
0x9d: {  	_ =	strace $0x8FFFFFFF  }
0x9e: {  	s18 =	sld [smem:$0x3FDB];
	_ =	sdelay $0x1  }
0x9f: {  	s19 =	simm.s32 $_scs_section_size  }
0xa0: {  	s5 =	simm.s32 $_size__tile_overlayer_lowered;
	s6 =	simm.s32 $_tile_overlayer_lowered  }
0xa1: {  	s22 =	simm.s32 $0x1BFF;
	s21 =	sshll.u32 s6, $0x1;
	s3 =	sadd.s32 s19, s18  }
0xa2: {  	s7 =	simm.s32 $0x0;
	s20 =	sshll.u32 s5, $0x1;
	s5 =	sadd.s32 s21, s3  }
0xa3: {  	[timem:s7], [sflag:s22] =	dma.local [hbm:s5], s20  }
0xa4: {  	_ =	swait.ge [sflag:s22], s20  }
0xa5: {  	s4 =	ssub.s32 $0x0, s20;
	[sflag:s22] =	ssyncset.done $0x0  }
0xa6: {  	[sflag:s22] =	ssyncadd.s32 s4;
	_ =	sdelay $0x1  }
0xa7: {  	s23 =	simm.s32 $0x1B8B  }
0xa8: {  	_ =	swait.ge [sflag:s23], $0x1  }
0xa9: {  	[sflag:s23] =	ssyncset.done $0x0  }
0xaa: {  	s25 =	simm.s32 $0x1B8E;
	s24 =	sld [smem:$0x3FFE];
	[sflag:s23] =	ssyncadd.s32 $0xFFFFFFFF  }
0xab: {  	s26 =	simm.s32 $execute0_lowered;
	[smem:$0x3FD2] =	sst s25  }
0xac: {  	s5 =	sshll.u32 s26, $0x1;
	_ =	strace $0x80000046;
	[dreg:$0x1] =	wrdreg $0xFFFFFFFF  }
0xad: {  	s28 =	simm.s32 $_size_execute0_lowered;
	s3 =	sadd.s32 s3, s5;
	[dreg:$0x0] =	wrdreg $0x0  }
0xae: {  	s5 =	sshll.u32 s28, $0x1;
	[dreg:$0x2] =	wrdreg s3  }
0xaf: {  	[dreg:$0x3] =	wrdreg s5  }
0xb0: {  	[dreg:$0x4] =	wrdreg $0xC0  }
0xb1: {  	_ =	task [dreg:s7], $0x5FFFF  }
0xb2: {  	[dreg:$0x1] =	wrdreg $0xFFFFFFFF  }
0xb3: {  	[dreg:$0x0] =	wrdreg $0x60  }
0xb4: {  	[dreg:$0x2] =	wrdreg s24  }
0xb5: {  	[dreg:$0x3] =	wrdreg s16  }
0xb6: {  	[dreg:$0x4] =	wrdreg $0x9  }
0xb7: {  	_ =	task.clear_ibuf [dreg:s7], $0x5FFFF;
	_ =	strace $0x90000046  }
0xb8: {  	s29 =	simm.s32 $0x9;
	_ =	strace $0x80000048  }
0xb9: {  	_ =	swait.ge [sflag:s29], $0x1  }
0xba: {  	[sflag:s29] =	ssyncadd.s32 $0xFFFFFFFF  }
0xbb: {  	_ =	strace $0x90000048  }
0xbc: {  	_ =	sfence  }
0xbd: {  	s30 =	sld [smem:$0x0];
	_ =	sdelay $0x2  }
0xbe: {  	s31 =	sshll.u32 s1, $0xD;
	s1 =	sshrl.u32 s1, $0x2  }
0xbf: {  	s3 =	sand.u32 $0x4000, s31;
	s1 =	sadd.s32 s1, s30  }
0xc0: {  	s0 =	sor.u32 s3, s0;
	s1 =	sshll.u32 s1, $0x11  }
0xc1: {  	s0 =	sor.u32 s1, s0  }
0xc2: {  	s0 =	sadd.s32 $0x8F2B, s0  }
0xc3: {  	[sflag:s0] =	ssyncadd.remote.s32 $0x1  }
0xc4: {  	_ =	sfence.sel $0xFFFF  }
0xc5: {  	[dreg:$0x0] =	wrdreg $0xFFFFFFFF;
	(pc) =	sbr.abs _section_cstart, $3  }
0xc6: {  	[dreg:$0x1] =	wrdreg $0xFFFFFFFF  }
0xc7: {  	_ =	task.clear_ibuf [dreg:s7], $0x2FFFF;
	_ =	strace $0x9FFFFFFF  }
0xc8: {  	(tm) =	ssettm $0x7FFFFFFF  }
0xc9: {  	_ =	shalt  }
tec
execute0_lowered:
.L_overlay_start_1:
0x0: {  	(tag) =	ssettag $0x1  }
0x1: {  	s1 =	srdreg.scid;
	s2 =	rddreg [dreg:$0x0]  }
0x2: {  	s0 =	stileid.u32;
	s3 =	rddreg [dreg:$0x1]  }
0x3: {  	s6 =	simm.s32 $0x1;
	s9 =	simm.s32 $0x1;
	s1 =	sshll.u32 s1, $0x6  }
0x4: {  	s10 =	simm.s32 $0x3;
	s4 =	sshll.u32 s0, $0x7;
	s5 =	sand.u32 $0x40, s1  }
0x5: {  	s13 =	simm.s32 $0x0;
	s12 =	simm.s32 $0x0;
	s4 =	sor.u32 s4, s5  }
0x6: {  	s1 =	rddreg [dreg:$0x2];
	_ =	strace $0x80000047;
	s8 =	ssub.s32 $0x1000, s4  }
.Ltmp0:
0x7: {  	s5 =	sadd.s32 $0x2400, s2;
	s7 =	sand.u32 $0x7C0, s8;
	(pc) =	sbr.rel .LBB2_1-.Ltmp0, $4  }
0x8: {  	[sflag:s6] =	ssyncpa.u1 $0x0;
	s11 =	smov.u32 s4;
	p0 =	sne.s32 s7, $0x0  }
0x9: {  	s8 =	sshrl.u32 s8, $0xB;
	s7 =	simm.s32 $0x2;
	s9 =	simm.s32 @!p0 $0x0  }
0xa: {  	[sflag:s7] =	ssyncpa.u1 $0x0;
	p0 =	por $0x0, $0x0;
	s8 =	sadd.s32 s9, s8  }
0xb: {  	vm0 =	vmmov $0xffff;
	[sflag:s10] =	ssyncpa.u1 $0x0;
	s10 =	simm.s32 $0x0;
	s9 =	sadd.s32 $0x1, s8  }
.LBB2_4:
0xc: {  	vm1 =	veq.s32 v0, $0x80000000;
	v63 =	vand.u32 $0xFFF, v0;
	v2 =	vand.u32 $0xF, v2  }
0xd: {  	v0 =	vsel vm1, $0xFFFFFFFF, v63;
	v2 =	vsel vm1, $0xFFFFFFFF, v2  }
0xe: {  	v3 =	vshll.u32 v2, $0xC;
	v4 =	vshll.u32 v0, $0x3  }
0xf: {  	v2 =	vshll.u32 v2, $0x7;
	v3 =	vand.u32 $0xFFFF8000, v3;
	v4 =	vand.u32 $0xFFFFFC00, v4  }
0x10: {  	v2 =	vand.u32 $0x380, v2;
	v3 =	vadd.s32 v4, v3  }
0x11: {  	v0 =	vand.u32 $0x7F, v0;
	v2 =	vor.u32 v2, v3  }
0x12: {  	v0 =	vor.u32 v0, v2;
	_ =	sdelay $0x1  }
0x13: {  	(ifvalue) =	ssetifvalue $0x7FFFFFFF;
	s14 =	sadd.s32 $0x10, s14  }
0x14: {  	[tilespmem:s14], [sflag:$0x1] =	stream.indirect_vreg.gather [hbm4b:s2+s10], $0x1, v1, vm0, $0x4038;
	[tilespmem:$0x100] =	vst v63  }
0x15: {  	(ifvalue) =	ssetifvalue $0x7FFFFFFF;
	s14 =	sadd.s32 $0x10, s14  }
0x16: {  	[tilespmem:s14], [sflag:$0x1] =	stream.indirect_vreg.gather [hbm4b:s2+s10], $0x1, v0, vm0, $0x4038;
	[tilespmem:$0x100] =	vst v63  }
0x17: {  	_ =	swait.ge [sflag:s6], $0x40  }
0x18: {  	s30 =	sshrl.u32 s13, $0x3;
	[sflag:s6] =	ssyncset.done $0x0  }
0x19: {  	s31 =	sand.u32 $0x7, s13;
	s14 =	sadd.s32 s5, s30;
	[sflag:s6] =	ssyncadd.s32 $0xFFFFFFC0  }
0x1a: {  	[hbm4b:s14+s31] =	stream.linear.scatter [tilespmem:s15], [sflag:$0x3], $0x40, $0x38;
	[tilespmem:$0x100] =	vst v63  }
.LBB2_5:
0x1b: {  	s15 =	sadd.s32 $0x800, s11  }
0x1c: {  	p2 =	sgt.s32 s15, $0xFFF  }
0x1d: {  	s15 =	smov.u32 @p2 s4;
	p2 =	sne.s32 s12, s9  }
.Ltmp1:
0x1e: {  	p1 =	slt.u32 s12, $0x2;
	(pc) =	sbr.rel @!p2 .LBB2_6-.Ltmp1, $4  }
0x1f: {  	s14 =	simm.s32 @!p1 $0x3  }
0x20: {  	s16 =	sadd.s32 $0x1, s12;
	_ =	swait.ge @!p1 [sflag:s14], $0x40  }
0x21: {  	s13 =	smov.u32 s11;
	p0 =	por !p0, !p0;
	[sflag:s14] =	ssyncset.done @!p1 $0x0  }
0x22: {  	s12 =	smov.u32 s16;
	s11 =	smov.u32 s15;
	[sflag:s14] =	ssyncadd.s32 @!p1 $0xFFFFFFC0  }
.LBB2_1:
0x23: {  	p1 =	sge.u32 s12, s8  }
0x24: {  	s14 =	sxor.u32 @!p1 $0xFFFFFFFF, s12  }
0x25: {  	s31 =	sadd.s32 $0xFFFFFFFF, s12;
	s15 =	sshrl.u32 @!p1 s11, $0x3;
	s14 =	sshll.u32 @!p1 s14, $0x6  }
0x26: {  	s16 =	sand.u32 @!p1 $0x7, s11;
	s15 =	sadd.s32 @!p1 s3, s15;
	s14 =	sand.u32 @!p1 $0x40, s14  }
0x27: {  	[tilespmem:s14], [sflag:$0x2] =	stream.linear.gather @!p1 [hbm4b:s15+s16], $0x40, $0x38;
	[tilespmem:$0x100] =	vst v63  }
0x28: {  	p1 =	sge.u32 s31, s8  }
.Ltmp2:
0x29: {  	_ = 	snop;
	(pc) =	sbr.rel @p1 .LBB2_5-.Ltmp2, $1  }
0x2a: {  	_ =	sdelay $0x3  }
0x2b: {  	s14 =	simm.s32 $0x1  }
0x2c: {  	_ =	swait.ge [sflag:s7], $0x40;
	s14 =	simm.s32 @!p0 $0x0  }
0x2d: {  	[sflag:s7] =	ssyncset.done $0x0;
	s14 =	sshll.u32 s14, $0x6  }
0x2e: {  	[sflag:s7] =	ssyncadd.s32 $0xFFFFFFC0;
	(ifvalue) =	ssetifvalue $0x7FFFFFFF;
	v0 =	vld.msk [tilespmem:s14+$0x0 ss:$0x1], $0xffff;
	_ =	sdelay $0x4  }
0x2f: {  	s15 =	sadd.s32 $0x10, s14;
	v1 =	vshrl.u32 v0, $0xC  }
0x30: {  	v2 =	vld.msk [tilespmem:s15+$0x0 ss:$0x1], $0xffff;
	vm1 =	veq.s32 v0, $0x80000000;
	v0 =	vand.u32 $0xFFF, v0;
	v1 =	vand.u32 $0xF, v1  }
0x31: {  	v0 =	vsel vm1, $0xFFFFFFFF, v0;
	v1 =	vsel vm1, $0xFFFFFFFF, v1  }
0x32: {  	v4 =	vshll.u32 v0, $0x3;
	v3 =	vshll.u32 v1, $0xC  }
0x33: {  	v4 =	vand.u32 $0xFFFFFC00, v4;
	v1 =	vshll.u32 v1, $0x7;
	v3 =	vand.u32 $0xFFFF8000, v3  }
0x34: {  	v0 =	vand.u32 $0x7F, v0;
	v1 =	vand.u32 $0x380, v1;
	v3 =	vadd.s32 v4, v3  }
0x35: {  	vm1 =	veq.s32 v2, $0x80000000;
	v1 =	vor.u32 v1, v3;
	v3 =	vshrl.u32 v2, $0xC  }
0x36: {  	s17 =	sadd.s32 $0x10, s15;
	v2 =	vand.u32 $0xFFF, v2;
	v1 =	vor.u32 v0, v1;
	v3 =	vand.u32 $0xF, v3  }
0x37: {  	v0 =	vld.msk [tilespmem:s17+$0x0 ss:$0x1], $0xffff;
	v2 =	vsel vm1, $0xFFFFFFFF, v2;
	v3 =	vsel vm1, $0xFFFFFFFF, v3  }
0x38: {  	v5 =	vshll.u32 v2, $0x3;
	v63 =	vshll.u32 v3, $0xC  }
0x39: {  	s31 =	sshll.u32 s12, $0x6;
	v5 =	vand.u32 $0xFFFFFC00, v5;
	v3 =	vshll.u32 v3, $0x7;
	v4 =	vand.u32 $0xFFFF8000, v63  }
0x3a: {  	s14 =	sor.u32 $0x80, s14;
	s15 =	sand.u32 $0x40, s31;
	(ifvalue) =	ssetifvalue $0x7FFFFFFF;
	v3 =	vand.u32 $0x380, v3;
	v4 =	vadd.s32 v5, v4  }
0x3b: {  	[tilespmem:s14], [sflag:$0x1] =	stream.indirect_vreg.gather [hbm4b:s2+s10], $0x1, v1, vm0, $0x4038;
	v1 =	vand.u32 $0x7F, v2;
	v3 =	vor.u32 v3, v4;
	[tilespmem:$0x100] =	vst v63  }
0x3c: {  	s16 =	simm.s32 $0x20;
	s15 =	sor.u32 $0x80, s15;
	s17 =	sadd.s32 $0x10, s17;
	v2 =	vshrl.u32 v0, $0xC;
	v1 =	vor.u32 v1, v3  }
.LBB2_3:
0x3d: {  	s16 =	sadd.s32 $0x10, s16;
	vm1 =	veq.s32 v0, $0x80000000;
	v3 =	vand.u32 $0xFFF, v0;
	v0 =	vld.msk [tilespmem:s17+$0x0 ss:$0x1], $0xffff;
	v2 =	vand.u32 $0xF, v2  }
0x3e: {  	p1 =	slt.u32 s16, $0x30;
	v3 =	vsel vm1, $0xFFFFFFFF, v3;
	v2 =	vsel vm1, $0xFFFFFFFF, v2  }
.Ltmp3:
0x3f: {  	v4 =	vshll.u32 v2, $0xC;
	v5 =	vshll.u32 v3, $0x3;
	(pc) =	sbr.rel @p1 .LBB2_3-.Ltmp3, $4  }
0x40: {  	s14 =	sadd.s32 $0x10, s14;
	v2 =	vshll.u32 v2, $0x7;
	v4 =	vand.u32 $0xFFFF8000, v4;
	v5 =	vand.u32 $0xFFFFFC00, v5;
	(ifvalue) =	ssetifvalue $0x7FFFFFFF  }
0x41: {  	v2 =	vand.u32 $0x380, v2;
	v4 =	vadd.s32 v5, v4;
	[tilespmem:s14], [sflag:$0x1] =	stream.indirect_vreg.gather [hbm4b:s2+s10], $0x1, v1, vm0, $0x4038;
	[tilespmem:$0x100] =	vst v63  }
0x42: {  	v1 =	vand.u32 $0x7F, v3;
	v3 =	vor.u32 v2, v4  }
0x43: {  	s17 =	sadd.s32 $0x10, s17;
	v2 =	vshrl.u32 v0, $0xC;
	v1 =	vor.u32 v1, v3  }
.Ltmp4:
0x44: {  	_ = 	snop;
	(pc) =	sbr.rel .LBB2_4-.Ltmp4, $1  }
0x45: {  	_ =	sdelay $0x3  }
.LBB2_6:
0x46: {  	_ =	sfence.sel $0x180000  }
0x47: {  	s2 =	simm.s32 $0x2;
	[bflag:$0x0] =	sbarrier.arrive $0xFFFF  }
0x48: {  	s30 =	simm.s32 $0x3;
	[sflag:s2] =	ssyncpa.u1 $0x1  }
0x49: {  	s31 =	simm.s32 $0x1;
	[sflag:s30] =	ssyncpa.u1 $0x1  }
0x4a: {  	[sflag:s31] =	ssyncpa.u1 $0x1  }
0x4b: {  	p0 =	sne.s32 s0, $0x0;
	_ =	strace $0x90000047  }
0x4c: {  	s0 =	sadd.s32 @!p0 $0x100000, s1;
	[bflag:$0x2] =	sbarrier.arrive $0xFFFF  }
0x4d: {  	[sflag:s0] =	ssyncadd.tile.s32 @!p0 $0x1;
	_ =	shalt  }
.Lfunc_end2:
_tile_overlayer_lowered:
.L_overlay_start_2:
0x4e: {  	(tag) =	ssettag $0x2  }
0x4f: {  	s0 =	rddreg [dreg:$0x0];
	s2 =	stileid.u32  }
0x50: {  	s1 =	rddreg [dreg:$0x1];
	p0 =	sne.s32 s2, $0x0  }
0x51: {  	s3 =	rddreg [dreg:$0x2];
	[bflag:$0x3] =	sbarrier.arrive $0xFFFF;
	s2 =	simm.s32 @!p0 $0x1C01  }
0x52: {  	[timem:s3], [sflag:s2] =	dma.local @!p0 [hbm:s0], s1  }
0x53: {  	s0 =	simm.s32 @!p0 $0x1  }
0x54: {  	_ =	swait.ge @!p0 [sflag:s0], s1  }
0x55: {  	s1 =	ssub.s32 @!p0 $0x0, s1;
	[sflag:s0] =	ssyncset.done @!p0 $0x0  }
0x56: {  	[sflag:s0] =	ssyncadd.s32 @!p0 s1  }
0x57: {  	[bflag:$0x3] =	sbarrier.arrive $0xFFFF  }
0x58: {  	_ =	shalt  }

// kernel: gather_offload_async_start
scs
__scs_entry_jumppad:
0x0: {  	(pc) =	sbr.rel $0x88, $3  }
0x1: {  	(tag) =	ssettag $0x0;
	lr =	simm.s32 $0x1  }
0x2: {  	[smem:$0x3F99] =	sst lr;
	_ =	strace $0xD0000000  }
0x3: {  	_ = 	snop  }
0x4: {  	_ = 	snop  }
0x5: {  	_ = 	snop  }
0x6: {  	_ = 	snop  }
0x7: {  	_ = 	snop  }
__scs_overlays_trampoline_lowered:
0x8: {  	[smem:$0x3FA8] =	sst s0  }
0x9: {  	[smem:$0x3FA9] =	sst s1  }
0xa: {  	[smem:$0x3FAA] =	sst s2  }
0xb: {  	[smem:$0x3FAB] =	sst s3  }
0xc: {  	[smem:$0x3FAC] =	sst s4  }
0xd: {  	[smem:$0x3FAD] =	sst s5  }
0xe: {  	[smem:$0x3FAE] =	sst s6  }
0xf: {  	[smem:$0x3FAF] =	sst s7  }
0x10: {  	[smem:$0x3FB0] =	sst s8  }
0x11: {  	[smem:$0x3FB1] =	sst s9;
	s0 =	simm.s32 @!p0 $0x0  }
0x12: {  	s1 =	sld [smem:$0x3F97];
	s0 =	simm.s32 @p0 $0x1  }
0x13: {  	[smem:$0x3FB2] =	sst s0;
	s0 =	simm.s32 @!p1 $0x0  }
0x14: {  	s2 =	sld [smem:$0x3F96];
	s0 =	simm.s32 @p1 $0x1  }
0x15: {  	[smem:$0x3FB3] =	sst s0;
	s0 =	simm.s32 @!p2 $0x0  }
0x16: {  	s3 =	sld [smem:$0x3FDB];
	s0 =	simm.s32 @p2 $0x1  }
0x17: {  	s4 =	simm.s32 $0x1BF5;
	[smem:$0x3FB5] =	sst s0  }
0x18: {  	s0 =	sld [smem:$0x3F98];
	_ =	swait.ge [sflag:s4], $0x0  }
0x19: {  	s7 =	sld [smem:$0x3F99]  }
0x1a: {  	s8 =	sadd.s32 $0xFFFFE003, lr  }
0x1b: {  	s9 =	sadd.s32 $0xFFFFFEF7, lr;
	s5 =	simm.s32 $0xFFFFFFFF;
	p2 =	slt.u32 s8, $0xFFFFF086  }
0x1c: {  	p1 =	slt.u32 s9, $0xF7A;
	s5 =	simm.s32 @!p2 $0x0  }
0x1d: {  	s5 =	simm.s32 @p1 $0x1;
	p0 =	seq.s32 s7, s2  }
0x1e: {  	s7 =	smul.u32 @!p0 $0xF7A, s2;
	p2 =	seq.s32 @!p0 s5, $0x0  }
0x1f: {  	s9 =	smul.u32 $0xF7A, s1;
	s8 =	simm.s32 @!p0 $0x1BF5;
	p2 =	por !p2, p0  }
0x20: {  	[sflag:s8] =	ssyncset.s32 @!p0 $0xFFFFF086;
	s6 =	sadd.s32 @!p0 s3, s7;
	s7 =	simm.s32 @!p0 $0x108  }
0x21: {  	s3 =	sadd.s32 s3, s9;
	s6 =	sadd.s32 @!p0 $0x88, s6;
	s7 =	simm.s32 @p2 $0x1082  }
0x22: {  	[simem:s7], [sflag:s8] =	dma.local @!p0 [hbm:s6], $0xF7A  }
0x23: {  	s9 =	sor.u32 $0xD0000000, s2;
	s6 =	simm.s32 $0x108;
	_ =	swait.ge @!p0 [sflag:s8], $0x0  }
0x24: {  	s3 =	sadd.s32 $0x88, s3;
	s6 =	simm.s32 @!p1 $0x1082;
	[sflag:s4] =	ssyncset.s32 $0xFFFFF086  }
0x25: {  	[simem:s6], [sflag:s4] =	dma.local [hbm:s3], $0xF7A  }
0x26: {  	[smem:$0x3F99] =	sst s1;
	(tag) =	ssettag s2;
	_ =	strace s9  }
0x27: {  	s1 =	sld [smem:$0x3FA9]  }
0x28: {  	s2 =	sld [smem:$0x3FAA]  }
0x29: {  	s4 =	sld [smem:$0x3FAC]  }
0x2a: {  	p0 =	seq.s32 s5, $0x0;
	s5 =	sld [smem:$0x3FAD]  }
0x2b: {  	s6 =	sld [smem:$0x3FAE]  }
0x2c: {  	s7 =	sld [smem:$0x3FAF]  }
0x2d: {  	s3 =	simm.s32 $0x108;
	s8 =	sld [smem:$0x3FB0]  }
0x2e: {  	s3 =	simm.s32 @!p0 $0x1082;
	s9 =	sld [smem:$0x3FB1]  }
0x2f: {  	lr =	sadd.s32 s0, s3;
	s0 =	sld [smem:$0x3FA8]  }
0x30: {  	s3 =	sld [smem:$0x3FAB]  }
0x31: {  	[smem:$0x3FB4] =	sst s10  }
0x32: {  	s10 =	sld [smem:$0x3FB2];
	_ =	sdelay $0x3  }
0x33: {  	p0 =	seq.s32 s10, $0x1;
	s10 =	sld [smem:$0x3FB4];
	_ =	sdelay $0x3  }
0x34: {  	[smem:$0x3FB4] =	sst s10  }
0x35: {  	s10 =	sld [smem:$0x3FB3];
	_ =	sdelay $0x3  }
0x36: {  	p1 =	seq.s32 s10, $0x1;
	s10 =	sld [smem:$0x3FB4];
	_ =	sdelay $0x3  }
0x37: {  	[smem:$0x3FB4] =	sst s10  }
0x38: {  	s10 =	sld [smem:$0x3FB5]  }
0x39: {  	_ = 	snop;
	(pc) =	sbr.ind lr, $3  }
0x3a: {  	_ = 	snop  }
0x3b: {  	_ = 	snop  }
0x3c: {  	p2 =	seq.s32 s10, $0x1;
	s10 =	sld [smem:$0x3FB4]  }
0x3d: {  	_ =	shalt  }
0x3e: {  	_ =	shalt  }
0x3f: {  	_ =	shalt  }
0x40: {  	_ =	shalt  }
0x41: {  	_ =	shalt  }
0x42: {  	_ =	shalt  }
0x43: {  	_ =	shalt  }
0x44: {  	_ =	shalt  }
0x45: {  	_ =	shalt  }
0x46: {  	_ =	shalt  }
0x47: {  	_ =	shalt  }
0x48: {  	_ =	shalt  }
0x49: {  	_ =	shalt  }
0x4a: {  	_ =	shalt  }
0x4b: {  	_ =	shalt  }
0x4c: {  	_ =	shalt  }
0x4d: {  	_ =	shalt  }
0x4e: {  	_ =	shalt  }
0x4f: {  	_ =	shalt  }
0x50: {  	_ =	shalt  }
0x51: {  	_ =	shalt  }
0x52: {  	_ =	shalt  }
0x53: {  	_ =	shalt  }
0x54: {  	_ =	shalt  }
0x55: {  	_ =	shalt  }
0x56: {  	_ =	shalt  }
0x57: {  	_ =	shalt  }
0x58: {  	_ =	shalt  }
0x59: {  	_ =	shalt  }
0x5a: {  	_ =	shalt  }
0x5b: {  	_ =	shalt  }
0x5c: {  	_ =	shalt  }
0x5d: {  	_ =	shalt  }
0x5e: {  	_ =	shalt  }
0x5f: {  	_ =	shalt  }
0x60: {  	_ =	shalt  }
0x61: {  	_ =	shalt  }
0x62: {  	_ =	shalt  }
0x63: {  	_ =	shalt  }
0x64: {  	_ =	shalt  }
0x65: {  	_ =	shalt  }
0x66: {  	_ =	shalt  }
0x67: {  	_ =	shalt  }
0x68: {  	_ =	shalt  }
0x69: {  	_ =	shalt  }
0x6a: {  	_ =	shalt  }
0x6b: {  	_ =	shalt  }
0x6c: {  	_ =	shalt  }
0x6d: {  	_ =	shalt  }
0x6e: {  	_ =	shalt  }
0x6f: {  	_ =	shalt  }
0x70: {  	_ =	shalt  }
0x71: {  	_ =	shalt  }
0x72: {  	_ =	shalt  }
0x73: {  	_ =	shalt  }
0x74: {  	_ =	shalt  }
0x75: {  	_ =	shalt  }
0x76: {  	_ =	shalt  }
0x77: {  	_ =	shalt  }
0x78: {  	_ =	shalt  }
0x79: {  	_ =	shalt  }
0x7a: {  	_ =	shalt  }
0x7b: {  	_ =	shalt  }
0x7c: {  	_ =	shalt  }
0x7d: {  	_ =	shalt  }
0x7e: {  	_ =	shalt  }
0x7f: {  	_ =	shalt  }
0x80: {  	_ =	shalt  }
0x81: {  	_ =	shalt  }
0x82: {  	_ =	shalt  }
0x83: {  	_ =	shalt  }
0x84: {  	_ =	shalt  }
0x85: {  	_ =	shalt  }
0x86: {  	_ =	shalt  }
0x87: {  	_ =	shalt  }
.Lfunc_end0:
.L_simem_size_0:
called_computation_lowered:
.L_overlay_start_0:
0x88: {  	s2 =	sld [smem:$0x3FD9]  }
0x89: {  	s3 =	sld [smem:$0x3FFE];
	_ =	sdelay $0x1  }
0x8a: {  	s1 =	srdreg.scid  }
0x8b: {  	s0 =	sand.u32 $0x1, s1  }
0x8c: {  	s17 =	sshll.u32 s0, $0xA;
	s2 =	sadd.s32 s3, s2  }
0x8d: {  	s2 =	sadd.s32 s2, s17  }
0x8e: {  	[smem:$0x3FC0] =	sst s2  }
0x8f: {  	_ = 	snop  }
0x90: {  	(tm) =	ssettm $0x1  }
0x91: {  	s18 =	sld [smem:$0x3FFB];
	_ =	sdelay $0x3  }
0x92: {  	_ =	strace s18  }
0x93: {  	s2 =	sld [smem:$0x3FFC];
	_ =	sdelay $0x3  }
0x94: {  	_ =	strace s2  }
0x95: {  	s2 =	sld [smem:$0x3FFD];
	_ =	sdelay $0x3  }
0x96: {  	_ =	strace s2  }
0x97: {  	_ =	strace $0x8FFFFFFF  }
0x98: {  	s19 =	sld [smem:$0x3FDB];
	_ =	sdelay $0x1  }
0x99: {  	s20 =	simm.s32 $_scs_section_size  }
0x9a: {  	s4 =	simm.s32 $_size__tile_overlayer_lowered;
	s5 =	simm.s32 $_tile_overlayer_lowered  }
0x9b: {  	s6 =	simm.s32 $0x1BFF;
	s21 =	sshll.u32 s5, $0x1;
	s3 =	sadd.s32 s20, s19  }
0x9c: {  	s22 =	simm.s32 $0x0;
	s4 =	sshll.u32 s4, $0x1;
	s5 =	sadd.s32 s21, s3  }
0x9d: {  	[timem:s22], [sflag:s6] =	dma.local [hbm:s5], s4  }
0x9e: {  	_ =	swait.ge [sflag:s6], s4  }
0x9f: {  	s4 =	ssub.s32 $0x0, s4;
	[sflag:s6] =	ssyncset.done $0x0  }
0xa0: {  	[sflag:s6] =	ssyncadd.s32 s4;
	_ =	sdelay $0x1  }
0xa1: {  	s23 =	simm.s32 $0x1B8B  }
0xa2: {  	_ =	swait.ge [sflag:s23], $0x1  }
0xa3: {  	[sflag:s23] =	ssyncset.done $0x0  }
0xa4: {  	[sflag:s23] =	ssyncadd.s32 $0xFFFFFFFF  }
0xa5: {  	s4 =	sld [smem:$0x0]  }
0xa6: {  	s5 =	sand.u32 $0xFFFFFFFE, s1  }
0xa7: {  	p0 =	sne.s32 s1, s5  }
0xa8: {  	s5 =	sshll.u32 @p0 s5, $0xE  }
0xa9: {  	s5 =	sadd.s32 @p0 $0x11B8D, s5;
	s6 =	sshll.u32 @p0 s4, $0x11  }
0xaa: {  	s5 =	sor.u32 @p0 s6, s5  }
0xab: {  	[sflag:s5] =	ssyncadd.remote.s32 @p0 $0x1;
	_ =	sdelay $0x1  }
0xac: {  	s5 =	simm.s32 @p0 $0x1B8D  }
0xad: {  	_ =	swait.eq @p0 [sflag:s5], $0x1  }
0xae: {  	[sflag:s5] =	ssyncadd.s32 @p0 $0xFFFFFFFF  }
0xaf: {  	s6 =	sshll.u32 @!p0 s1, $0xE  }
0xb0: {  	s6 =	sor.u32 @!p0 $0x4000, s6;
	s5 =	simm.s32 @!p0 $0x1B8D  }
0xb1: {  	s4 =	sshll.u32 @!p0 s4, $0x11;
	s6 =	sadd.s32 @!p0 $0x11B8D, s6;
	_ =	swait.eq @!p0 [sflag:s5], $0x1  }
0xb2: {  	s4 =	sor.u32 @!p0 s4, s6;
	[sflag:s5] =	ssyncadd.s32 @!p0 $0xFFFFFFFF  }
0xb3: {  	s25 =	simm.s32 $0x1B8E;
	s24 =	sld [smem:$0x3FFE];
	[sflag:s4] =	ssyncadd.remote.s32 @!p0 $0x1  }
0xb4: {  	s26 =	simm.s32 $execute0_lowered;
	[smem:$0x3FD2] =	sst s25  }
0xb5: {  	s5 =	sshll.u32 s26, $0x1;
	_ =	strace $0x8000004C;
	[dreg:$0x1] =	wrdreg $0xFFFFFFFF  }
0xb6: {  	s28 =	simm.s32 $_size_execute0_lowered;
	s3 =	sadd.s32 s3, s5;
	[dreg:$0x0] =	wrdreg $0x0  }
0xb7: {  	s5 =	sshll.u32 s28, $0x1;
	[dreg:$0x2] =	wrdreg s3  }
0xb8: {  	[dreg:$0x3] =	wrdreg s5  }
0xb9: {  	[dreg:$0x4] =	wrdreg $0xC0  }
0xba: {  	_ =	task [dreg:s22], $0x5FFFF  }
0xbb: {  	[dreg:$0x1] =	wrdreg $0xFFFFFFFF  }
0xbc: {  	[dreg:$0x0] =	wrdreg $0x60  }
0xbd: {  	[dreg:$0x2] =	wrdreg s24  }
0xbe: {  	[dreg:$0x3] =	wrdreg $0x9  }
0xbf: {  	_ =	task.clear_ibuf [dreg:s22], $0x4FFFF;
	_ =	strace $0x9000004C  }
0xc0: {  	s29 =	simm.s32 $0x9;
	_ =	strace $0x8000004E  }
0xc1: {  	_ =	swait.ge [sflag:s29], $0x1  }
0xc2: {  	[sflag:s29] =	ssyncadd.s32 $0xFFFFFFFF  }
0xc3: {  	_ =	strace $0x9000004E  }
0xc4: {  	_ =	sfence  }
0xc5: {  	s30 =	sld [smem:$0x0];
	_ =	sdelay $0x2  }
0xc6: {  	s31 =	sshll.u32 s1, $0xD;
	s1 =	sshrl.u32 s1, $0x2  }
0xc7: {  	s4 =	sand.u32 $0x4000, s31;
	s1 =	sadd.s32 s1, s30  }
0xc8: {  	s0 =	sor.u32 s4, s0;
	s1 =	sshll.u32 s1, $0x11  }
0xc9: {  	s0 =	sor.u32 s1, s0  }
0xca: {  	s0 =	sadd.s32 $0x8F2B, s0  }
0xcb: {  	[sflag:s0] =	ssyncadd.remote.s32 $0x1  }
0xcc: {  	_ =	sfence.sel $0xFFFF  }
0xcd: {  	[dreg:$0x0] =	wrdreg $0xFFFFFFFF;
	(pc) =	sbr.abs _section_cstart, $3  }
0xce: {  	[dreg:$0x1] =	wrdreg $0xFFFFFFFF  }
0xcf: {  	_ =	task.clear_ibuf [dreg:s22], $0x2FFFF;
	_ =	strace $0x9FFFFFFF  }
0xd0: {  	(tm) =	ssettm $0x7FFFFFFF  }
0xd1: {  	_ =	shalt  }
tec
execute0_lowered:
.L_overlay_start_1:
0x0: {  	(tag) =	ssettag $0x1  }
0x1: {  	s2 =	rddreg [dreg:$0x0]  }
0x2: {  	s0 =	rddreg [dreg:$0x1]  }
0x3: {  	s1 =	srdreg.scid;
	_ =	strace $0x8000004D;
	s4 =	simm.s32 $0x1  }
0x4: {  	s9 =	simm.s32 $0x3;
	s11 =	simm.s32 $0x0;
	s5 =	sshll.u32 s1, $0x4  }
.Ltmp0:
0x5: {  	s1 =	stileid.u32;
	s5 =	sand.u32 $0x10, s5;
	(pc) =	sbr.rel .LBB2_1-.Ltmp0, $4  }
0x6: {  	p0 =	por $0x0, $0x0;
	s3 =	sadd.s32 $0x272800, s2;
	s6 =	sor.u32 s1, s5  }
0x7: {  	[sflag:s4] =	ssyncpa.u1 $0x0;
	s5 =	simm.s32 $0x2;
	s6 =	sshll.u32 s6, $0x6  }
0x8: {  	s7 =	sadd.s32 $0x80400, s2;
	[sflag:s5] =	ssyncpa.u1 $0x0;
	s8 =	sadd.s32 $0x40, s6  }
0x9: {  	vm0 =	vmmov $0xff;
	vm1 =	vcmask $0x3F20;
	[sflag:s9] =	ssyncpa.u1 $0x0;
	s10 =	smov.u32 s6;
	s9 =	simm.s32 $0x0  }
.LBB2_5:
0xa: {  	p1 =	slt.u32 s9, $0x2;
	s11 =	sadd.s32 $0x10, s10  }
0xb: {  	s13 =	smov.u32 s6;
	s9 =	sadd.s32 $0x1, s9;
	p2 =	slt.s32 s11, s8  }
0xc: {  	s13 =	smov.u32 @p2 s11;
	p2 =	sne.s32 s9, $0x6  }
.Ltmp1:
0xd: {  	_ = 	snop;
	(pc) =	sbr.rel @!p2 .LBB2_6-.Ltmp1, $4  }
0xe: {  	s12 =	simm.s32 @!p1 $0x3  }
0xf: {  	_ =	swait.ge @!p1 [sflag:s12], $0x8000  }
0x10: {  	p0 =	por !p0, !p0;
	[sflag:s12] =	ssyncset.done @!p1 $0x0  }
0x11: {  	s11 =	smov.u32 s10;
	s10 =	smov.u32 s13;
	[sflag:s12] =	ssyncadd.s32 @!p1 $0xFFFF8000  }
.LBB2_1:
0x12: {  	p1 =	sgt.u32 s9, $0x3  }
0x13: {  	s12 =	sxor.u32 @!p1 $0xFFFFFFFF, s9  }
0x14: {  	s13 =	sshrl.u32 @!p1 s10, $0x3;
	s12 =	sshll.u32 @!p1 s12, $0x4  }
0x15: {  	s14 =	sand.u32 @!p1 $0x7, s10;
	s13 =	sadd.s32 @!p1 s2, s13;
	s12 =	sand.u32 @!p1 $0x10, s12  }
0x16: {  	[tilespmem:s12], [sflag:$0x2] =	stream.linear.gather @!p1 [hbm4b:s13+s14], $0x10, $0x38;
	[tilespmem:$0x10020] =	vst v63  }
0x17: {  	p1 =	seq.s32 s9, $0x0  }
0x18: {  	p2 =	seq.s32 @!p1 s9, $0x5  }
0x19: {  	p1 =	por p1, p2  }
.Ltmp2:
0x1a: {  	_ = 	snop;
	(pc) =	sbr.rel @p1 .LBB2_5-.Ltmp2, $1  }
0x1b: {  	_ =	sdelay $0x3  }
0x1c: {  	_ =	swait.ge [sflag:s5], $0x10  }
0x1d: {  	s12 =	sand.u32 $0x1, s9;
	[sflag:s5] =	ssyncset.done $0x0  }
0x1e: {  	s13 =	sshll.u32 s12, $0x4;
	[sflag:s5] =	ssyncadd.s32 $0xFFFFFFF0  }
0x1f: {  	v0 =	vld.msk [tilespmem:s13+$0x0 ss:$0x1], $0xffff;
	_ =	sdelay $0x4  }
0x20: {  	vm2 =	vgt.s32 v0, $0x0  }
0x21: {  	v0 =	vnsel vm2, $0x0, v0  }
0x22: {  	v0 =	vmin.u32 v0, $0x26FF  }
0x23: {  	v1 =	vshll.u32 v0, $0x8;
	v0 =	vshll.u32 v0, $0x4  }
0x24: {  	v1 =	vand.u32 $0x3FF800, v1;
	v0 =	vand.u32 $0x70, v0  }
0x25: {  	s13 =	simm.s32 $0x1;
	v0 =	vor.u32 v0, v1  }
0x26: {  	s13 =	simm.s32 @!p0 $0x0  }
0x27: {  	s13 =	sshll.u32 s13, $0xF  }
0x28: {  	s14 =	sor.u32 $0x20, s13  }
0x29: {  	s12 =	sshll.u32 s12, $0xF;
	s16 =	sadd.s32 $0x0, s14  }
0x2a: {  	[tilespmem:s16], [sflag:$0x1] =	stream.indirect_vreg.gather [hbm:s3], $0x80, v0, vm0, $0x38;
	[tilespmem:$0x10020] =	vst v63  }
0x2b: {  	s15 =	simm.s32 $0x1000;
	s13 =	sor.u32 $0x20, s12;
	v1 =	vadd.s32 $0x80, v0;
	s16 =	sadd.s32 $0x4000, s16  }
.LBB2_3:
0x2c: {  	[tilespmem:s16], [sflag:$0x1] =	stream.indirect_vreg.gather [hbm:s3], $0x80, v0, vm1, $0x38;
	[tilespmem:$0x10020] =	vst v63  }
0x2d: {  	v0 =	vmov v1;
	s16 =	smov.u32 s15;
	p1 =	sne.s32 s15, $0xF000  }
.Ltmp3:
0x2e: {  	s15 =	sadd.s32 $0x1000, s15;
	(pc) =	sbr.rel @p1 .LBB2_3-.Ltmp3, $4  }
0x2f: {  	s16 =	sshra.s32 s16, $0x2  }
0x30: {  	s16 =	sadd.s32 s16, s14  }
0x31: {  	[tilespmem:s16], [sflag:$0x1] =	stream.indirect_vreg.gather [hbm:s3], $0x80, v1, vm0, $0x38;
	[tilespmem:$0x10020] =	vst v63  }
0x32: {  	s16 =	sadd.s32 $0x4000, s16;
	v1 =	vadd.s32 $0x80, v1  }
0x33: {  	_ =	sdelay $0x3  }
0x34: {  	[tilespmem:s16], [sflag:$0x1] =	stream.indirect_vreg.gather [hbm:s3], $0x80, v0, vm1, $0x38;
	[tilespmem:$0x10020] =	vst v63  }
0x35: {  	s14 =	sshll.u32 s11, $0x4;
	s31 =	sshll.u32 s11, $0x8  }
0x36: {  	_ =	swait.ge [sflag:s4], $0x8000;
	s14 =	sand.u32 $0x70, s14;
	s11 =	sand.u32 $0xFFFFF800, s31  }
.Ltmp4:
0x37: {  	[sflag:s4] =	ssyncset.done $0x0;
	s14 =	sadd.s32 s7, s14;
	(pc) =	sbr.rel .LBB2_5-.Ltmp4, $4  }
0x38: {  	[sflag:s4] =	ssyncadd.s32 $0xFFFF8000;
	s11 =	sadd.s32 s11, s14  }
0x39: {  	[hbm:s11] =	stream.linear.scatter [tilespmem:s13], [sflag:$0x3], $0x4000, $0x38;
	[tilespmem:$0x10020] =	vst v63  }
0x3a: {  	s12 =	sadd.s32 $0x4020, s12;
	s11 =	sadd.s32 $0x800, s11  }
0x3b: {  	[hbm:s11] =	stream.linear.scatter [tilespmem:s12], [sflag:$0x3], $0x4000, $0x38;
	[tilespmem:$0x10020] =	vst v63  }
.LBB2_6:
0x3c: {  	_ =	sfence.sel $0x180000  }
0x3d: {  	s2 =	simm.s32 $0x2;
	[bflag:$0x0] =	sbarrier.arrive $0xFFFF  }
0x3e: {  	s30 =	simm.s32 $0x3;
	[sflag:s2] =	ssyncpa.u1 $0x1  }
0x3f: {  	s31 =	simm.s32 $0x1;
	[sflag:s30] =	ssyncpa.u1 $0x1  }
0x40: {  	[sflag:s31] =	ssyncpa.u1 $0x1  }
0x41: {  	p0 =	sne.s32 s1, $0x0;
	_ =	strace $0x9000004D  }
0x42: {  	s0 =	sadd.s32 @!p0 $0x100000, s0;
	[bflag:$0x2] =	sbarrier.arrive $0xFFFF  }
0x43: {  	[sflag:s0] =	ssyncadd.tile.s32 @!p0 $0x1;
	_ =	shalt  }
.Lfunc_end2:
_tile_overlayer_lowered:
.L_overlay_start_2:
0x44: {  	(tag) =	ssettag $0x2  }
0x45: {  	s0 =	rddreg [dreg:$0x0];
	s2 =	stileid.u32  }
0x46: {  	s1 =	rddreg [dreg:$0x1];
	p0 =	sne.s32 s2, $0x0  }
0x47: {  	s3 =	rddreg [dreg:$0x2];
	[bflag:$0x3] =	sbarrier.arrive $0xFFFF;
	s2 =	simm.s32 @!p0 $0x1C01  }
0x48: {  	[timem:s3], [sflag:s2] =	dma.local @!p0 [hbm:s0], s1  }
0x49: {  	s0 =	simm.s32 @!p0 $0x1  }
0x4a: {  	_ =	swait.ge @!p0 [sflag:s0], s1  }
0x4b: {  	s1 =	ssub.s32 @!p0 $0x0, s1;
	[sflag:s0] =	ssyncset.done @!p0 $0x0  }
0x4c: {  	[sflag:s0] =	ssyncadd.s32 @!p0 s1  }
0x4d: {  	[bflag:$0x3] =	sbarrier.arrive $0xFFFF  }
0x4e: {  	_ =	shalt  }

</sc_bundles>
